<compile_context>
chip_gen: v7x
topology: tpu7x:2x2x1
jax: 0.10.2.dev20260603
libtpu: 0.0.44.dev20260713+nightly
codegen_flags: <defaults>
</compile_context>

<pallas_src>
import dataclasses

import jax
import jax.numpy as jnp
from jax import lax
from jax.experimental import pallas as pl
from jax.experimental.pallas import tpu as pltpu
from jax.experimental.pallas import tpu_sc as plsc

VMIN = -5.0
VMAX = 5.0
N = 100
H = (VMAX - VMIN) / (N - 1)
INV_H = (N - 1) / (VMAX - VMIN)
OFF = 1.0 - VMIN * INV_H

NC = 2
NS = 16
NW = NC * NS
L = 16
UNROLL = 4
STEP = L * UNROLL
TBL = 112
PTS_OFF = 112
B_OFF = 224
PARBUF = 240


def _sc_pwl(eps_flat, p, points, b, per_w, last_w):
    mesh = plsc.VectorSubcoreMesh(
        core_axis_name="c", subcore_axis_name="s", num_cores=NC, num_subcores=NS
    )
    total = eps_flat.shape[0]

    NCHUNK = 2

    def body(p_hbm, pts_hbm, b_hbm, eps_hbm, out_hbm,
             par_v, k_v, d_v, c_v, eps_v, out_v,
             psem, sem0, sem1, sem2, sem3):
        csems = [sem0, sem1, sem2, sem3]
        hp = [pltpu.async_copy(p_hbm, par_v.at[pl.ds(0, 101)], psem),
              pltpu.async_copy(pts_hbm, par_v.at[pl.ds(PTS_OFF, N)], psem),
              pltpu.async_copy(b_hbm, par_v.at[pl.ds(B_OFF, 1)], psem)]

        wid = lax.axis_index("s") * NC + lax.axis_index("c")
        base = wid * per_w

        def build_tables():
            for h in hp:
                h.wait()
            bval = par_v[pl.ds(B_OFF, L)][0]

            for i in range(TBL // L):
                k_v[pl.ds(i * L, L)] = jnp.exp(par_v[pl.ds(i * L, L)]) + 0.001

            acc = bval
            for i in range(TBL // L):
                ii = lax.iota(jnp.int32, L) + (i * L)
                g = jnp.where((ii >= 1) & (ii <= N - 1),
                              k_v[pl.ds(i * L, L)] * H, 0.0)
                d_v[pl.ds(i * L, L)] = plsc.cumsum(g) + acc
                acc = acc + jnp.sum(g)

            for i in range(TBL // L):
                ii = lax.iota(jnp.int32, L) + (i * L)
                start = jnp.clip(ii - 1, 0, N - 1)
                dbg = plsc.load_gather(d_v, [start])
                spg = plsc.load_gather(par_v, [start + PTS_OFF])
                c_v[pl.ds(i * L, L)] = dbg - spg * k_v[pl.ds(i * L, L)]

        def do_chunk(c0):
            v = eps_v[pl.ds(c0, L)]
            u = jnp.clip(v * INV_H + OFF, 0.0, float(N))
            idx = u.astype(jnp.int32)
            a = plsc.load_gather(k_v, [idx])
            cc = plsc.load_gather(c_v, [idx])
            out_v[pl.ds(c0, L)] = v * a + cc

        def run_loop(lo, hi):
            main = lo + (hi - lo) // STEP * STEP

            @pl.loop(lo, main, step=STEP)
            def _(c0):
                for j in range(UNROLL):
                    do_chunk(c0 + j * L)

            if hi > main:
                @pl.loop(main, hi, step=L)
                def _(c0):
                    do_chunk(c0)

        def span(base, count):
            edges = sorted({i * count // NCHUNK // STEP * STEP
                            for i in range(NCHUNK)} | {count})
            spans = [(lo, hi) for lo, hi in zip(edges, edges[1:]) if hi > lo]

            ins = [pltpu.async_copy(eps_hbm.at[pl.ds(base + lo, hi - lo)],
                                    eps_v.at[pl.ds(lo, hi - lo)], csems[i])
                   for i, (lo, hi) in enumerate(spans)]
            build_tables()
            outs = []
            for i, (lo, hi) in enumerate(spans):
                ins[i].wait()
                run_loop(lo, hi)
                outs.append(
                    pltpu.async_copy(out_v.at[pl.ds(lo, hi - lo)],
                                     out_hbm.at[pl.ds(base + lo, hi - lo)],
                                     csems[i]))
            for h in outs:
                h.wait()

        if last_w == per_w:
            span(base, per_w)
        else:
            @pl.when(wid < NW - 1)
            def _():
                span(base, per_w)

            @pl.when(wid == NW - 1)
            def _():
                span((NW - 1) * per_w, last_w)

    cp = pltpu.CompilerParams()
    if "needs_layout_passes" in pltpu.CompilerParams.__dataclass_fields__:
        cp = dataclasses.replace(cp, needs_layout_passes=False)
    if "use_tc_tiling_on_sc" in pltpu.CompilerParams.__dataclass_fields__:
        cp = dataclasses.replace(cp, use_tc_tiling_on_sc=False)

    run = pl.kernel(
        body,
        out_type=jax.ShapeDtypeStruct((total,), jnp.float32),
        mesh=mesh,
        compiler_params=cp,
        scratch_types=[
            pltpu.VMEM((PARBUF,), jnp.float32),
            pltpu.VMEM((TBL,), jnp.float32),
            pltpu.VMEM((TBL,), jnp.float32),
            pltpu.VMEM((TBL,), jnp.float32),
            pltpu.VMEM((per_w,), jnp.float32),
            pltpu.VMEM((per_w,), jnp.float32),
            pltpu.SemaphoreType.DMA,
            pltpu.SemaphoreType.DMA,
            pltpu.SemaphoreType.DMA,
            pltpu.SemaphoreType.DMA,
            pltpu.SemaphoreType.DMA,
        ],
    )
    return run(p, points, b, eps_flat)


@jax.jit
def kernel(eps, p, b, points):
    bsz = eps.shape[0]
    pts = points.reshape(-1)

    eps_flat = eps.reshape(-1)
    if bsz % L == 0 and bsz >= NW * L:
        per_w = ((bsz + NW - 1) // NW + L - 1) // L * L
        last_w = bsz - (NW - 1) * per_w
        out = _sc_pwl(eps_flat, p, pts, b, per_w, last_w)
        return out.reshape(bsz, 1)

    chunk = NW * L
    total = ((bsz + chunk - 1) // chunk) * chunk
    per_w = total // NW
    eps_pad = jnp.pad(eps_flat, (0, total - bsz))
    out = _sc_pwl(eps_pad, p, pts, b, per_w, per_w)
    return out[:bsz].reshape(bsz, 1)

# --- scband reference (transcript-rebuilt; emitter-appended) ---
"""Pipeline reference for scband-invertible-pwl-18116172054655 (READ-ONLY COPY).

The authoritative reference and input builder live on the scoring server;
editing this copy changes nothing except your own understanding.
"""

import jax, jax.numpy as jnp
import numpy as np

VMIN = -5.0
VMAX = 5.0
N = 100
INT_LENGTH = (VMAX - VMIN) / (N - 1)


def _to_positive(x):
    return jnp.exp(x) + 0.001


def setup_inputs(seed: int = 0) -> dict:
    key = jax.random.key(seed)
    k1, k2, k3 = jax.random.split(key, 3)
    eps = jax.random.normal(k1, (500000, 1), dtype=jnp.float32)
    p = jax.random.normal(k2, (N + 1,), dtype=jnp.float32) / 5.0
    b = jax.random.normal(k3, (1,), dtype=jnp.float32) + VMIN
    points = jnp.asarray(np.linspace(VMIN, VMAX, N).astype('float32')).reshape(1, N)
    return {"eps": eps, "p": p, "b": b, "points": points}


def reference(eps, p, b, points):
    # delta_h over interior knots (detached in torch; same forward math)
    delta_h = INT_LENGTH * _to_positive(p[1:N])  # [N-1]
    # delta_bias[0] = b; delta_bias[i+1] = delta_bias[i] + delta_h[i]
    delta_bias = b[0] + jnp.concatenate(
        [jnp.zeros((1,), dtype=jnp.float32), jnp.cumsum(delta_h)]
    )  # [N]
    # histogram-style binning: count how many knot points each eps exceeds
    index = jnp.sum((eps - points >= 0).astype(jnp.int32), axis=1)  # [B], in [0, N]
    start_idx = jnp.maximum(index - 1, 0)  # [B]
    db = delta_bias[start_idx]  # gather [B]
    sp = jnp.squeeze(points)[start_idx]  # gather [B]
    delta_x = eps - sp.reshape(-1, 1)  # [B,1]
    k = _to_positive(p[index])  # gather [B]
    o = delta_x * k.reshape(-1, 1) + db.reshape(-1, 1)
    return o

if __name__ == "__main__":
    import jax
    _d = setup_inputs()
    print(jax.jit(kernel)(*tuple(_d.values())))

</pallas_src>

<mosaic_0001>
#map = affine_map<(d0, d1) -> (0)>
module attributes {stable_mosaic.version = 14 : i64} {
  func.func @body(%arg0: i32, %arg1: i32, %arg2: memref<101xf32, #tpu.memory_space<hbm>>, %arg3: memref<100xf32, #tpu.memory_space<hbm>>, %arg4: memref<1xf32, #tpu.memory_space<hbm>>, %arg5: memref<500000xf32, #tpu.memory_space<hbm>>, %arg6: memref<500000xf32, #tpu.memory_space<hbm>>, %arg7: memref<240xf32, #tpu.memory_space<vmem>>, %arg8: memref<112xf32, #tpu.memory_space<vmem>>, %arg9: memref<112xf32, #tpu.memory_space<vmem>>, %arg10: memref<112xf32, #tpu.memory_space<vmem>>, %arg11: memref<15632xf32, #tpu.memory_space<vmem>>, %arg12: memref<15632xf32, #tpu.memory_space<vmem>>, %arg13: memref<!tpu.dma_semaphore, #tpu.memory_space<semaphore_mem>>, %arg14: memref<!tpu.dma_semaphore, #tpu.memory_space<semaphore_mem>>, %arg15: memref<!tpu.dma_semaphore, #tpu.memory_space<semaphore_mem>>, %arg16: memref<!tpu.dma_semaphore, #tpu.memory_space<semaphore_mem>>, %arg17: memref<!tpu.dma_semaphore, #tpu.memory_space<semaphore_mem>>) attributes {dimension_semantics = [#tpu.dimension_semantics<core_parallel>, #tpu.dimension_semantics<subcore_parallel>], iteration_bounds = array<i64: 2, 16>, scalar_prefetch = 0 : i64, scratch_operands = 11 : i64, tpu.core_type = #tpu.core_type<sc_vector_subcore>, window_params = [{transform_indices = #map}, {transform_indices = #map}, {transform_indices = #map}, {transform_indices = #map}, {transform_indices = #map}]} {
    %dma_start3A = arith.constant 0 : i32
    %dma_start3A_0 = tpu.memref_slice %arg7[%dma_start3A] : memref<240xf32, #tpu.memory_space<vmem>> -> memref<101xf32, #tpu.memory_space<vmem>>
    %dma_start3A_1 = arith.constant 0 : i32
    %dma_start3A_2 = tpu.memref_slice %arg7[%dma_start3A_1] : memref<240xf32, #tpu.memory_space<vmem>> -> memref<101xf32, #tpu.memory_space<vmem>>
    tpu.enqueue_dma source(%arg2 : memref<101xf32, #tpu.memory_space<hbm>>) target(%dma_start3A_2 : memref<101xf32, #tpu.memory_space<vmem>>) target_semaphore(%arg13 : memref<!tpu.dma_semaphore, #tpu.memory_space<semaphore_mem>>)
    %dma_start3A_3 = arith.constant 112 : i32
    %dma_start3A_4 = tpu.memref_slice %arg7[%dma_start3A_3] : memref<240xf32, #tpu.memory_space<vmem>> -> memref<100xf32, #tpu.memory_space<vmem>>
    %dma_start3A_5 = arith.constant 112 : i32
    %dma_start3A_6 = tpu.memref_slice %arg7[%dma_start3A_5] : memref<240xf32, #tpu.memory_space<vmem>> -> memref<100xf32, #tpu.memory_space<vmem>>
    tpu.enqueue_dma source(%arg3 : memref<100xf32, #tpu.memory_space<hbm>>) target(%dma_start3A_6 : memref<100xf32, #tpu.memory_space<vmem>>) target_semaphore(%arg13 : memref<!tpu.dma_semaphore, #tpu.memory_space<semaphore_mem>>)
    %dma_start3A_7 = arith.constant 224 : i32
    %dma_start3A_8 = tpu.memref_slice %arg7[%dma_start3A_7] : memref<240xf32, #tpu.memory_space<vmem>> -> memref<1xf32, #tpu.memory_space<vmem>>
    %dma_start3A_9 = arith.constant 224 : i32
    %dma_start3A_10 = tpu.memref_slice %arg7[%dma_start3A_9] : memref<240xf32, #tpu.memory_space<vmem>> -> memref<1xf32, #tpu.memory_space<vmem>>
    tpu.enqueue_dma source(%arg4 : memref<1xf32, #tpu.memory_space<hbm>>) target(%dma_start3A_10 : memref<1xf32, #tpu.memory_space<vmem>>) target_semaphore(%arg13 : memref<!tpu.dma_semaphore, #tpu.memory_space<semaphore_mem>>)
    %mul3A = arith.constant 2 : i32
    %mul3A_11 = arith.muli %arg1, %mul3A : i32
    %add3A = arith.addi %mul3A_11, %arg0 : i32
    %mul3A_12 = arith.constant 15632 : i32
    %mul3A_13 = arith.muli %add3A, %mul3A_12 : i32
    %lt3A = arith.constant 31 : i32
    %lt3A_14 = arith.cmpi slt, %add3A, %lt3A : i32
    %convert_element_type3A = arith.extui %lt3A_14 : i1 to i32
    %cond3A = arith.constant 0 : i32
    %cond3A_15 = arith.cmpi ne, %convert_element_type3A, %cond3A : i32
    scf.if %cond3A_15 {
      %add3A_20 = arith.constant 0 : i32
      %add3A_21 = arith.addi %mul3A_13, %add3A_20 : i32
      %dma_start3A_22 = arith.constant 0 : i32
      %dma_start3A_23 = tpu.memref_slice %arg11[%dma_start3A_22] : memref<15632xf32, #tpu.memory_space<vmem>> -> memref<7808xf32, #tpu.memory_space<vmem>>
      %dma_start3A_24 = tpu.memref_slice %arg5[%add3A_21] : memref<500000xf32, #tpu.memory_space<hbm>> -> memref<7808xf32, #tpu.memory_space<hbm>>
      %dma_start3A_25 = arith.constant 0 : i32
      %dma_start3A_26 = tpu.memref_slice %arg11[%dma_start3A_25] : memref<15632xf32, #tpu.memory_space<vmem>> -> memref<7808xf32, #tpu.memory_space<vmem>>
      %dma_start3A_27 = tpu.memref_slice %arg5[%add3A_21] : memref<500000xf32, #tpu.memory_space<hbm>> -> memref<7808xf32, #tpu.memory_space<hbm>>
      tpu.enqueue_dma source(%dma_start3A_27 : memref<7808xf32, #tpu.memory_space<hbm>>) target(%dma_start3A_26 : memref<7808xf32, #tpu.memory_space<vmem>>) target_semaphore(%arg14 : memref<!tpu.dma_semaphore, #tpu.memory_space<semaphore_mem>>)
      %add3A_28 = arith.constant 7808 : i32
      %add3A_29 = arith.addi %mul3A_13, %add3A_28 : i32
      %dma_start3A_30 = arith.constant 7808 : i32
      %dma_start3A_31 = tpu.memref_slice %arg11[%dma_start3A_30] : memref<15632xf32, #tpu.memory_space<vmem>> -> memref<7824xf32, #tpu.memory_space<vmem>>
      %dma_start3A_32 = tpu.memref_slice %arg5[%add3A_29] : memref<500000xf32, #tpu.memory_space<hbm>> -> memref<7824xf32, #tpu.memory_space<hbm>>
      %dma_start3A_33 = arith.constant 7808 : i32
      %dma_start3A_34 = tpu.memref_slice %arg11[%dma_start3A_33] : memref<15632xf32, #tpu.memory_space<vmem>> -> memref<7824xf32, #tpu.memory_space<vmem>>
      %dma_start3A_35 = tpu.memref_slice %arg5[%add3A_29] : memref<500000xf32, #tpu.memory_space<hbm>> -> memref<7824xf32, #tpu.memory_space<hbm>>
      tpu.enqueue_dma source(%dma_start3A_35 : memref<7824xf32, #tpu.memory_space<hbm>>) target(%dma_start3A_34 : memref<7824xf32, #tpu.memory_space<vmem>>) target_semaphore(%arg15 : memref<!tpu.dma_semaphore, #tpu.memory_space<semaphore_mem>>)
      %dma_wait3A = arith.constant 0 : i32
      %dma_wait3A_36 = tpu.memref_slice %arg7[%dma_wait3A] : memref<240xf32, #tpu.memory_space<vmem>> -> memref<101xf32, #tpu.memory_space<vmem>>
      %dma_wait3A_37 = arith.constant 0 : i32
      %dma_wait3A_38 = tpu.memref_slice %arg7[%dma_wait3A_37] : memref<240xf32, #tpu.memory_space<vmem>> -> memref<101xf32, #tpu.memory_space<vmem>>
      tpu.wait_dma2 semaphore(%arg13 : memref<!tpu.dma_semaphore, #tpu.memory_space<semaphore_mem>>) src(%arg2 : memref<101xf32, #tpu.memory_space<hbm>>) dst(%dma_wait3A_38 : memref<101xf32, #tpu.memory_space<vmem>>)
      %dma_wait3A_39 = arith.constant 112 : i32
      %dma_wait3A_40 = tpu.memref_slice %arg7[%dma_wait3A_39] : memref<240xf32, #tpu.memory_space<vmem>> -> memref<100xf32, #tpu.memory_space<vmem>>
      %dma_wait3A_41 = arith.constant 112 : i32
      %dma_wait3A_42 = tpu.memref_slice %arg7[%dma_wait3A_41] : memref<240xf32, #tpu.memory_space<vmem>> -> memref<100xf32, #tpu.memory_space<vmem>>
      tpu.wait_dma2 semaphore(%arg13 : memref<!tpu.dma_semaphore, #tpu.memory_space<semaphore_mem>>) src(%arg3 : memref<100xf32, #tpu.memory_space<hbm>>) dst(%dma_wait3A_42 : memref<100xf32, #tpu.memory_space<vmem>>)
      %dma_wait3A_43 = arith.constant 224 : i32
      %dma_wait3A_44 = tpu.memref_slice %arg7[%dma_wait3A_43] : memref<240xf32, #tpu.memory_space<vmem>> -> memref<1xf32, #tpu.memory_space<vmem>>
      %dma_wait3A_45 = arith.constant 224 : i32
      %dma_wait3A_46 = tpu.memref_slice %arg7[%dma_wait3A_45] : memref<240xf32, #tpu.memory_space<vmem>> -> memref<1xf32, #tpu.memory_space<vmem>>
      tpu.wait_dma2 semaphore(%arg13 : memref<!tpu.dma_semaphore, #tpu.memory_space<semaphore_mem>>) src(%arg4 : memref<1xf32, #tpu.memory_space<hbm>>) dst(%dma_wait3A_46 : memref<1xf32, #tpu.memory_space<vmem>>)
      %get3A = arith.constant 224 : index
      %get3A_47 = tpu.vector_load %arg7[%get3A] {strides = array<i32>} : memref<240xf32, #tpu.memory_space<vmem>>, vector<16xf32>,
      %slice3A = vector.extract_strided_slice %get3A_47 {offsets = [0], sizes = [1], strides = [1]} : vector<16xf32> to vector<1xf32>
      %squeeze3A = vector.extract %slice3A[0] : f32 from vector<1xf32>
      %get3A_48 = arith.constant 0 : index
      %get3A_49 = tpu.vector_load %arg7[%get3A_48] {strides = array<i32>} : memref<240xf32, #tpu.memory_space<vmem>>, vector<16xf32>,
      %exp3A = math.exp %get3A_49 : vector<16xf32>
      %add3A_50 = arith.constant 1.000000e-03 : f32
      %add3A_51 = vector.broadcast %add3A_50 : f32 to vector<16xf32>
      %add3A_52 = arith.addf %exp3A, %add3A_51 : vector<16xf32>
      %swap3A = arith.constant 0 : index
      %swap3A_53 = tpu.vector_load %arg8[%swap3A] {strides = array<i32>} : memref<112xf32, #tpu.memory_space<vmem>>, vector<16xf32>,
      tpu.vector_store %arg8[%swap3A], %add3A_52 {strides = array<i32>} : memref<112xf32, #tpu.memory_space<vmem>>, vector<16xf32>,
      %get3A_54 = arith.constant 16 : index
      %get3A_55 = tpu.vector_load %arg7[%get3A_54] {strides = array<i32>} : memref<240xf32, #tpu.memory_space<vmem>>, vector<16xf32>,
      %exp3A_56 = math.exp %get3A_55 : vector<16xf32>
      %add3A_57 = arith.constant 1.000000e-03 : f32
      %add3A_58 = vector.broadcast %add3A_57 : f32 to vector<16xf32>
      %add3A_59 = arith.addf %exp3A_56, %add3A_58 : vector<16xf32>
      %swap3A_60 = arith.constant 16 : index
      %swap3A_61 = tpu.vector_load %arg8[%swap3A_60] {strides = array<i32>} : memref<112xf32, #tpu.memory_space<vmem>>, vector<16xf32>,
      tpu.vector_store %arg8[%swap3A_60], %add3A_59 {strides = array<i32>} : memref<112xf32, #tpu.memory_space<vmem>>, vector<16xf32>,
      %get3A_62 = arith.constant 32 : index
      %get3A_63 = tpu.vector_load %arg7[%get3A_62] {strides = array<i32>} : memref<240xf32, #tpu.memory_space<vmem>>, vector<16xf32>,
      %exp3A_64 = math.exp %get3A_63 : vector<16xf32>
      %add3A_65 = arith.constant 1.000000e-03 : f32
      %add3A_66 = vector.broadcast %add3A_65 : f32 to vector<16xf32>
      %add3A_67 = arith.addf %exp3A_64, %add3A_66 : vector<16xf32>
      %swap3A_68 = arith.constant 32 : index
      %swap3A_69 = tpu.vector_load %arg8[%swap3A_68] {strides = array<i32>} : memref<112xf32, #tpu.memory_space<vmem>>, vector<16xf32>,
      tpu.vector_store %arg8[%swap3A_68], %add3A_67 {strides = array<i32>} : memref<112xf32, #tpu.memory_space<vmem>>, vector<16xf32>,
      %get3A_70 = arith.constant 48 : index
      %get3A_71 = tpu.vector_load %arg7[%get3A_70] {strides = array<i32>} : memref<240xf32, #tpu.memory_space<vmem>>, vector<16xf32>,
      %exp3A_72 = math.exp %get3A_71 : vector<16xf32>
      %add3A_73 = arith.constant 1.000000e-03 : f32
      %add3A_74 = vector.broadcast %add3A_73 : f32 to vector<16xf32>
      %add3A_75 = arith.addf %exp3A_72, %add3A_74 : vector<16xf32>
      %swap3A_76 = arith.constant 48 : index
      %swap3A_77 = tpu.vector_load %arg8[%swap3A_76] {strides = array<i32>} : memref<112xf32, #tpu.memory_space<vmem>>, vector<16xf32>,
      tpu.vector_store %arg8[%swap3A_76], %add3A_75 {strides = array<i32>} : memref<112xf32, #tpu.memory_space<vmem>>, vector<16xf32>,
      %get3A_78 = arith.constant 64 : index
      %get3A_79 = tpu.vector_load %arg7[%get3A_78] {strides = array<i32>} : memref<240xf32, #tpu.memory_space<vmem>>, vector<16xf32>,
      %exp3A_80 = math.exp %get3A_79 : vector<16xf32>
      %add3A_81 = arith.constant 1.000000e-03 : f32
      %add3A_82 = vector.broadcast %add3A_81 : f32 to vector<16xf32>
      %add3A_83 = arith.addf %exp3A_80, %add3A_82 : vector<16xf32>
      %swap3A_84 = arith.constant 64 : index
      %swap3A_85 = tpu.vector_load %arg8[%swap3A_84] {strides = array<i32>} : memref<112xf32, #tpu.memory_space<vmem>>, vector<16xf32>,
      tpu.vector_store %arg8[%swap3A_84], %add3A_83 {strides = array<i32>} : memref<112xf32, #tpu.memory_space<vmem>>, vector<16xf32>,
      %get3A_86 = arith.constant 80 : index
      %get3A_87 = tpu.vector_load %arg7[%get3A_86] {strides = array<i32>} : memref<240xf32, #tpu.memory_space<vmem>>, vector<16xf32>,
      %exp3A_88 = math.exp %get3A_87 : vector<16xf32>
      %add3A_89 = arith.constant 1.000000e-03 : f32
      %add3A_90 = vector.broadcast %add3A_89 : f32 to vector<16xf32>
      %add3A_91 = arith.addf %exp3A_88, %add3A_90 : vector<16xf32>
      %swap3A_92 = arith.constant 80 : index
      %swap3A_93 = tpu.vector_load %arg8[%swap3A_92] {strides = array<i32>} : memref<112xf32, #tpu.memory_space<vmem>>, vector<16xf32>,
      tpu.vector_store %arg8[%swap3A_92], %add3A_91 {strides = array<i32>} : memref<112xf32, #tpu.memory_space<vmem>>, vector<16xf32>,
      %get3A_94 = arith.constant 96 : index
      %get3A_95 = tpu.vector_load %arg7[%get3A_94] {strides = array<i32>} : memref<240xf32, #tpu.memory_space<vmem>>, vector<16xf32>,
      %exp3A_96 = math.exp %get3A_95 : vector<16xf32>
      %add3A_97 = arith.constant 1.000000e-03 : f32
      %add3A_98 = vector.broadcast %add3A_97 : f32 to vector<16xf32>
      %add3A_99 = arith.addf %exp3A_96, %add3A_98 : vector<16xf32>
      %swap3A_100 = arith.constant 96 : index
      %swap3A_101 = tpu.vector_load %arg8[%swap3A_100] {strides = array<i32>} : memref<112xf32, #tpu.memory_space<vmem>>, vector<16xf32>,
      tpu.vector_store %arg8[%swap3A_100], %add3A_99 {strides = array<i32>} : memref<112xf32, #tpu.memory_space<vmem>>, vector<16xf32>,
      %iota3A = tpu.iota {dimensions = array<i32: 0>} : vector<16xi32>
      %add3A_102 = arith.constant 0 : i32
      %add3A_103 = vector.broadcast %add3A_102 : i32 to vector<16xi32>
      %add3A_104 = arith.addi %iota3A, %add3A_103 : vector<16xi32>
      %ge3A = arith.constant 1 : i32
      %ge3A_105 = vector.broadcast %ge3A : i32 to vector<16xi32>
      %ge3A_106 = arith.cmpi sge, %add3A_104, %ge3A_105 : vector<16xi32>
      %le3A = arith.constant 99 : i32
      %le3A_107 = vector.broadcast %le3A : i32 to vector<16xi32>
      %le3A_108 = arith.cmpi sle, %add3A_104, %le3A_107 : vector<16xi32>
      %and3A = arith.andi %ge3A_106, %le3A_108 : vector<16xi1>
      %get3A_109 = arith.constant 0 : index
      %get3A_110 = tpu.vector_load %arg8[%get3A_109] {strides = array<i32>} : memref<112xf32, #tpu.memory_space<vmem>>, vector<16xf32>,
      %mul3A_111 = arith.constant 0.101010099 : f32
      %mul3A_112 = vector.broadcast %mul3A_111 : f32 to vector<16xf32>
      %mul3A_113 = arith.mulf %get3A_110, %mul3A_112 : vector<16xf32>
      %jit3A = arith.constant 0.000000e+00 : f32
      %broadcast_in_dim3A = vector.broadcast %jit3A : f32 to vector<16xf32>
      %select_n3A = arith.select %and3A, %mul3A_113, %broadcast_in_dim3A : vector<16xi1>, vector<16xf32>
      %broadcast_in_dim3A_114 = arith.constant true
      %broadcast_in_dim3A_115 = vector.broadcast %broadcast_in_dim3A_114 : i1 to vector<16xi1>
      %masked_cumsum3A = tpu.scan <sum>, %select_n3A masked %broadcast_in_dim3A_115 : vector<16xf32>, vector<16xi1> -> vector<16xf32>
      %add3A_116 = vector.broadcast %squeeze3A : f32 to vector<16xf32>
      %add3A_117 = arith.addf %masked_cumsum3A, %add3A_116 : vector<16xf32>
      %swap3A_118 = arith.constant 0 : index
      %swap3A_119 = tpu.vector_load %arg9[%swap3A_118] {strides = array<i32>} : memref<112xf32, #tpu.memory_space<vmem>>, vector<16xf32>,
      tpu.vector_store %arg9[%swap3A_118], %add3A_117 {strides = array<i32>} : memref<112xf32, #tpu.memory_space<vmem>>, vector<16xf32>,
      %reduce_sum3A = arith.constant true
      %reduce_sum3A_120 = vector.broadcast %reduce_sum3A : i1 to vector<16xi1>
      %reduce_sum3A_121 = tpu.scan <sum>, %select_n3A masked %reduce_sum3A_120 : vector<16xf32>, vector<16xi1> -> vector<16xf32>
      %reduce_sum3A_122 = vector.extract %reduce_sum3A_121[15] : f32 from vector<16xf32>
      %add3A_123 = arith.addf %squeeze3A, %reduce_sum3A_122 : f32
      %iota3A_124 = tpu.iota {dimensions = array<i32: 0>} : vector<16xi32>
      %add3A_125 = arith.constant 16 : i32
      %add3A_126 = vector.broadcast %add3A_125 : i32 to vector<16xi32>
      %add3A_127 = arith.addi %iota3A_124, %add3A_126 : vector<16xi32>
      %ge3A_128 = arith.constant 1 : i32
      %ge3A_129 = vector.broadcast %ge3A_128 : i32 to vector<16xi32>
      %ge3A_130 = arith.cmpi sge, %add3A_127, %ge3A_129 : vector<16xi32>
      %le3A_131 = arith.constant 99 : i32
      %le3A_132 = vector.broadcast %le3A_131 : i32 to vector<16xi32>
      %le3A_133 = arith.cmpi sle, %add3A_127, %le3A_132 : vector<16xi32>
      %and3A_134 = arith.andi %ge3A_130, %le3A_133 : vector<16xi1>
      %get3A_135 = arith.constant 16 : index
      %get3A_136 = tpu.vector_load %arg8[%get3A_135] {strides = array<i32>} : memref<112xf32, #tpu.memory_space<vmem>>, vector<16xf32>,
      %mul3A_137 = arith.constant 0.101010099 : f32
      %mul3A_138 = vector.broadcast %mul3A_137 : f32 to vector<16xf32>
      %mul3A_139 = arith.mulf %get3A_136, %mul3A_138 : vector<16xf32>
      %jit3A_140 = arith.constant 0.000000e+00 : f32
      %broadcast_in_dim3A_141 = vector.broadcast %jit3A_140 : f32 to vector<16xf32>
      %select_n3A_142 = arith.select %and3A_134, %mul3A_139, %broadcast_in_dim3A_141 : vector<16xi1>, vector<16xf32>
      %broadcast_in_dim3A_143 = arith.constant true
      %broadcast_in_dim3A_144 = vector.broadcast %broadcast_in_dim3A_143 : i1 to vector<16xi1>
      %masked_cumsum3A_145 = tpu.scan <sum>, %select_n3A_142 masked %broadcast_in_dim3A_144 : vector<16xf32>, vector<16xi1> -> vector<16xf32>
      %add3A_146 = vector.broadcast %add3A_123 : f32 to vector<16xf32>
      %add3A_147 = arith.addf %masked_cumsum3A_145, %add3A_146 : vector<16xf32>
      %swap3A_148 = arith.constant 16 : index
      %swap3A_149 = tpu.vector_load %arg9[%swap3A_148] {strides = array<i32>} : memref<112xf32, #tpu.memory_space<vmem>>, vector<16xf32>,
      tpu.vector_store %arg9[%swap3A_148], %add3A_147 {strides = array<i32>} : memref<112xf32, #tpu.memory_space<vmem>>, vector<16xf32>,
      %reduce_sum3A_150 = arith.constant true
      %reduce_sum3A_151 = vector.broadcast %reduce_sum3A_150 : i1 to vector<16xi1>
      %reduce_sum3A_152 = tpu.scan <sum>, %select_n3A_142 masked %reduce_sum3A_151 : vector<16xf32>, vector<16xi1> -> vector<16xf32>
      %reduce_sum3A_153 = vector.extract %reduce_sum3A_152[15] : f32 from vector<16xf32>
      %add3A_154 = arith.addf %add3A_123, %reduce_sum3A_153 : f32
      %iota3A_155 = tpu.iota {dimensions = array<i32: 0>} : vector<16xi32>
      %add3A_156 = arith.constant 32 : i32
      %add3A_157 = vector.broadcast %add3A_156 : i32 to vector<16xi32>
      %add3A_158 = arith.addi %iota3A_155, %add3A_157 : vector<16xi32>
      %ge3A_159 = arith.constant 1 : i32
      %ge3A_160 = vector.broadcast %ge3A_159 : i32 to vector<16xi32>
      %ge3A_161 = arith.cmpi sge, %add3A_158, %ge3A_160 : vector<16xi32>
      %le3A_162 = arith.constant 99 : i32
      %le3A_163 = vector.broadcast %le3A_162 : i32 to vector<16xi32>
      %le3A_164 = arith.cmpi sle, %add3A_158, %le3A_163 : vector<16xi32>
      %and3A_165 = arith.andi %ge3A_161, %le3A_164 : vector<16xi1>
      %get3A_166 = arith.constant 32 : index
      %get3A_167 = tpu.vector_load %arg8[%get3A_166] {strides = array<i32>} : memref<112xf32, #tpu.memory_space<vmem>>, vector<16xf32>,
      %mul3A_168 = arith.constant 0.101010099 : f32
      %mul3A_169 = vector.broadcast %mul3A_168 : f32 to vector<16xf32>
      %mul3A_170 = arith.mulf %get3A_167, %mul3A_169 : vector<16xf32>
      %jit3A_171 = arith.constant 0.000000e+00 : f32
      %broadcast_in_dim3A_172 = vector.broadcast %jit3A_171 : f32 to vector<16xf32>
      %select_n3A_173 = arith.select %and3A_165, %mul3A_170, %broadcast_in_dim3A_172 : vector<16xi1>, vector<16xf32>
      %broadcast_in_dim3A_174 = arith.constant true
      %broadcast_in_dim3A_175 = vector.broadcast %broadcast_in_dim3A_174 : i1 to vector<16xi1>
      %masked_cumsum3A_176 = tpu.scan <sum>, %select_n3A_173 masked %broadcast_in_dim3A_175 : vector<16xf32>, vector<16xi1> -> vector<16xf32>
      %add3A_177 = vector.broadcast %add3A_154 : f32 to vector<16xf32>
      %add3A_178 = arith.addf %masked_cumsum3A_176, %add3A_177 : vector<16xf32>
      %swap3A_179 = arith.constant 32 : index
      %swap3A_180 = tpu.vector_load %arg9[%swap3A_179] {strides = array<i32>} : memref<112xf32, #tpu.memory_space<vmem>>, vector<16xf32>,
      tpu.vector_store %arg9[%swap3A_179], %add3A_178 {strides = array<i32>} : memref<112xf32, #tpu.memory_space<vmem>>, vector<16xf32>,
      %reduce_sum3A_181 = arith.constant true
      %reduce_sum3A_182 = vector.broadcast %reduce_sum3A_181 : i1 to vector<16xi1>
      %reduce_sum3A_183 = tpu.scan <sum>, %select_n3A_173 masked %reduce_sum3A_182 : vector<16xf32>, vector<16xi1> -> vector<16xf32>
      %reduce_sum3A_184 = vector.extract %reduce_sum3A_183[15] : f32 from vector<16xf32>
      %add3A_185 = arith.addf %add3A_154, %reduce_sum3A_184 : f32
      %iota3A_186 = tpu.iota {dimensions = array<i32: 0>} : vector<16xi32>
      %add3A_187 = arith.constant 48 : i32
      %add3A_188 = vector.broadcast %add3A_187 : i32 to vector<16xi32>
      %add3A_189 = arith.addi %iota3A_186, %add3A_188 : vector<16xi32>
      %ge3A_190 = arith.constant 1 : i32
      %ge3A_191 = vector.broadcast %ge3A_190 : i32 to vector<16xi32>
      %ge3A_192 = arith.cmpi sge, %add3A_189, %ge3A_191 : vector<16xi32>
      %le3A_193 = arith.constant 99 : i32
      %le3A_194 = vector.broadcast %le3A_193 : i32 to vector<16xi32>
      %le3A_195 = arith.cmpi sle, %add3A_189, %le3A_194 : vector<16xi32>
      %and3A_196 = arith.andi %ge3A_192, %le3A_195 : vector<16xi1>
      %get3A_197 = arith.constant 48 : index
      %get3A_198 = tpu.vector_load %arg8[%get3A_197] {strides = array<i32>} : memref<112xf32, #tpu.memory_space<vmem>>, vector<16xf32>,
      %mul3A_199 = arith.constant 0.101010099 : f32
      %mul3A_200 = vector.broadcast %mul3A_199 : f32 to vector<16xf32>
      %mul3A_201 = arith.mulf %get3A_198, %mul3A_200 : vector<16xf32>
      %jit3A_202 = arith.constant 0.000000e+00 : f32
      %broadcast_in_dim3A_203 = vector.broadcast %jit3A_202 : f32 to vector<16xf32>
      %select_n3A_204 = arith.select %and3A_196, %mul3A_201, %broadcast_in_dim3A_203 : vector<16xi1>, vector<16xf32>
      %broadcast_in_dim3A_205 = arith.constant true
      %broadcast_in_dim3A_206 = vector.broadcast %broadcast_in_dim3A_205 : i1 to vector<16xi1>
      %masked_cumsum3A_207 = tpu.scan <sum>, %select_n3A_204 masked %broadcast_in_dim3A_206 : vector<16xf32>, vector<16xi1> -> vector<16xf32>
      %add3A_208 = vector.broadcast %add3A_185 : f32 to vector<16xf32>
      %add3A_209 = arith.addf %masked_cumsum3A_207, %add3A_208 : vector<16xf32>
      %swap3A_210 = arith.constant 48 : index
      %swap3A_211 = tpu.vector_load %arg9[%swap3A_210] {strides = array<i32>} : memref<112xf32, #tpu.memory_space<vmem>>, vector<16xf32>,
      tpu.vector_store %arg9[%swap3A_210], %add3A_209 {strides = array<i32>} : memref<112xf32, #tpu.memory_space<vmem>>, vector<16xf32>,
      %reduce_sum3A_212 = arith.constant true
      %reduce_sum3A_213 = vector.broadcast %reduce_sum3A_212 : i1 to vector<16xi1>
      %reduce_sum3A_214 = tpu.scan <sum>, %select_n3A_204 masked %reduce_sum3A_213 : vector<16xf32>, vector<16xi1> -> vector<16xf32>
      %reduce_sum3A_215 = vector.extract %reduce_sum3A_214[15] : f32 from vector<16xf32>
      %add3A_216 = arith.addf %add3A_185, %reduce_sum3A_215 : f32
      %iota3A_217 = tpu.iota {dimensions = array<i32: 0>} : vector<16xi32>
      %add3A_218 = arith.constant 64 : i32
      %add3A_219 = vector.broadcast %add3A_218 : i32 to vector<16xi32>
      %add3A_220 = arith.addi %iota3A_217, %add3A_219 : vector<16xi32>
      %ge3A_221 = arith.constant 1 : i32
      %ge3A_222 = vector.broadcast %ge3A_221 : i32 to vector<16xi32>
      %ge3A_223 = arith.cmpi sge, %add3A_220, %ge3A_222 : vector<16xi32>
      %le3A_224 = arith.constant 99 : i32
      %le3A_225 = vector.broadcast %le3A_224 : i32 to vector<16xi32>
      %le3A_226 = arith.cmpi sle, %add3A_220, %le3A_225 : vector<16xi32>
      %and3A_227 = arith.andi %ge3A_223, %le3A_226 : vector<16xi1>
      %get3A_228 = arith.constant 64 : index
      %get3A_229 = tpu.vector_load %arg8[%get3A_228] {strides = array<i32>} : memref<112xf32, #tpu.memory_space<vmem>>, vector<16xf32>,
      %mul3A_230 = arith.constant 0.101010099 : f32
      %mul3A_231 = vector.broadcast %mul3A_230 : f32 to vector<16xf32>
      %mul3A_232 = arith.mulf %get3A_229, %mul3A_231 : vector<16xf32>
      %jit3A_233 = arith.constant 0.000000e+00 : f32
      %broadcast_in_dim3A_234 = vector.broadcast %jit3A_233 : f32 to vector<16xf32>
      %select_n3A_235 = arith.select %and3A_227, %mul3A_232, %broadcast_in_dim3A_234 : vector<16xi1>, vector<16xf32>
      %broadcast_in_dim3A_236 = arith.constant true
      %broadcast_in_dim3A_237 = vector.broadcast %broadcast_in_dim3A_236 : i1 to vector<16xi1>
      %masked_cumsum3A_238 = tpu.scan <sum>, %select_n3A_235 masked %broadcast_in_dim3A_237 : vector<16xf32>, vector<16xi1> -> vector<16xf32>
      %add3A_239 = vector.broadcast %add3A_216 : f32 to vector<16xf32>
      %add3A_240 = arith.addf %masked_cumsum3A_238, %add3A_239 : vector<16xf32>
      %swap3A_241 = arith.constant 64 : index
      %swap3A_242 = tpu.vector_load %arg9[%swap3A_241] {strides = array<i32>} : memref<112xf32, #tpu.memory_space<vmem>>, vector<16xf32>,
      tpu.vector_store %arg9[%swap3A_241], %add3A_240 {strides = array<i32>} : memref<112xf32, #tpu.memory_space<vmem>>, vector<16xf32>,
      %reduce_sum3A_243 = arith.constant true
      %reduce_sum3A_244 = vector.broadcast %reduce_sum3A_243 : i1 to vector<16xi1>
      %reduce_sum3A_245 = tpu.scan <sum>, %select_n3A_235 masked %reduce_sum3A_244 : vector<16xf32>, vector<16xi1> -> vector<16xf32>
      %reduce_sum3A_246 = vector.extract %reduce_sum3A_245[15] : f32 from vector<16xf32>
      %add3A_247 = arith.addf %add3A_216, %reduce_sum3A_246 : f32
      %iota3A_248 = tpu.iota {dimensions = array<i32: 0>} : vector<16xi32>
      %add3A_249 = arith.constant 80 : i32
      %add3A_250 = vector.broadcast %add3A_249 : i32 to vector<16xi32>
      %add3A_251 = arith.addi %iota3A_248, %add3A_250 : vector<16xi32>
      %ge3A_252 = arith.constant 1 : i32
      %ge3A_253 = vector.broadcast %ge3A_252 : i32 to vector<16xi32>
      %ge3A_254 = arith.cmpi sge, %add3A_251, %ge3A_253 : vector<16xi32>
      %le3A_255 = arith.constant 99 : i32
      %le3A_256 = vector.broadcast %le3A_255 : i32 to vector<16xi32>
      %le3A_257 = arith.cmpi sle, %add3A_251, %le3A_256 : vector<16xi32>
      %and3A_258 = arith.andi %ge3A_254, %le3A_257 : vector<16xi1>
      %get3A_259 = arith.constant 80 : index
      %get3A_260 = tpu.vector_load %arg8[%get3A_259] {strides = array<i32>} : memref<112xf32, #tpu.memory_space<vmem>>, vector<16xf32>,
      %mul3A_261 = arith.constant 0.101010099 : f32
      %mul3A_262 = vector.broadcast %mul3A_261 : f32 to vector<16xf32>
      %mul3A_263 = arith.mulf %get3A_260, %mul3A_262 : vector<16xf32>
      %jit3A_264 = arith.constant 0.000000e+00 : f32
      %broadcast_in_dim3A_265 = vector.broadcast %jit3A_264 : f32 to vector<16xf32>
      %select_n3A_266 = arith.select %and3A_258, %mul3A_263, %broadcast_in_dim3A_265 : vector<16xi1>, vector<16xf32>
      %broadcast_in_dim3A_267 = arith.constant true
      %broadcast_in_dim3A_268 = vector.broadcast %broadcast_in_dim3A_267 : i1 to vector<16xi1>
      %masked_cumsum3A_269 = tpu.scan <sum>, %select_n3A_266 masked %broadcast_in_dim3A_268 : vector<16xf32>, vector<16xi1> -> vector<16xf32>
      %add3A_270 = vector.broadcast %add3A_247 : f32 to vector<16xf32>
      %add3A_271 = arith.addf %masked_cumsum3A_269, %add3A_270 : vector<16xf32>
      %swap3A_272 = arith.constant 80 : index
      %swap3A_273 = tpu.vector_load %arg9[%swap3A_272] {strides = array<i32>} : memref<112xf32, #tpu.memory_space<vmem>>, vector<16xf32>,
      tpu.vector_store %arg9[%swap3A_272], %add3A_271 {strides = array<i32>} : memref<112xf32, #tpu.memory_space<vmem>>, vector<16xf32>,
      %reduce_sum3A_274 = arith.constant true
      %reduce_sum3A_275 = vector.broadcast %reduce_sum3A_274 : i1 to vector<16xi1>
      %reduce_sum3A_276 = tpu.scan <sum>, %select_n3A_266 masked %reduce_sum3A_275 : vector<16xf32>, vector<16xi1> -> vector<16xf32>
      %reduce_sum3A_277 = vector.extract %reduce_sum3A_276[15] : f32 from vector<16xf32>
      %add3A_278 = arith.addf %add3A_247, %reduce_sum3A_277 : f32
      %iota3A_279 = tpu.iota {dimensions = array<i32: 0>} : vector<16xi32>
      %add3A_280 = arith.constant 96 : i32
      %add3A_281 = vector.broadcast %add3A_280 : i32 to vector<16xi32>
      %add3A_282 = arith.addi %iota3A_279, %add3A_281 : vector<16xi32>
      %ge3A_283 = arith.constant 1 : i32
      %ge3A_284 = vector.broadcast %ge3A_283 : i32 to vector<16xi32>
      %ge3A_285 = arith.cmpi sge, %add3A_282, %ge3A_284 : vector<16xi32>
      %le3A_286 = arith.constant 99 : i32
      %le3A_287 = vector.broadcast %le3A_286 : i32 to vector<16xi32>
      %le3A_288 = arith.cmpi sle, %add3A_282, %le3A_287 : vector<16xi32>
      %and3A_289 = arith.andi %ge3A_285, %le3A_288 : vector<16xi1>
      %get3A_290 = arith.constant 96 : index
      %get3A_291 = tpu.vector_load %arg8[%get3A_290] {strides = array<i32>} : memref<112xf32, #tpu.memory_space<vmem>>, vector<16xf32>,
      %mul3A_292 = arith.constant 0.101010099 : f32
      %mul3A_293 = vector.broadcast %mul3A_292 : f32 to vector<16xf32>
      %mul3A_294 = arith.mulf %get3A_291, %mul3A_293 : vector<16xf32>
      %jit3A_295 = arith.constant 0.000000e+00 : f32
      %broadcast_in_dim3A_296 = vector.broadcast %jit3A_295 : f32 to vector<16xf32>
      %select_n3A_297 = arith.select %and3A_289, %mul3A_294, %broadcast_in_dim3A_296 : vector<16xi1>, vector<16xf32>
      %broadcast_in_dim3A_298 = arith.constant true
      %broadcast_in_dim3A_299 = vector.broadcast %broadcast_in_dim3A_298 : i1 to vector<16xi1>
      %masked_cumsum3A_300 = tpu.scan <sum>, %select_n3A_297 masked %broadcast_in_dim3A_299 : vector<16xf32>, vector<16xi1> -> vector<16xf32>
      %add3A_301 = vector.broadcast %add3A_278 : f32 to vector<16xf32>
      %add3A_302 = arith.addf %masked_cumsum3A_300, %add3A_301 : vector<16xf32>
      %swap3A_303 = arith.constant 96 : index
      %swap3A_304 = tpu.vector_load %arg9[%swap3A_303] {strides = array<i32>} : memref<112xf32, #tpu.memory_space<vmem>>, vector<16xf32>,
      tpu.vector_store %arg9[%swap3A_303], %add3A_302 {strides = array<i32>} : memref<112xf32, #tpu.memory_space<vmem>>, vector<16xf32>,
      %reduce_sum3A_305 = arith.constant true
      %reduce_sum3A_306 = vector.broadcast %reduce_sum3A_305 : i1 to vector<16xi1>
      %reduce_sum3A_307 = tpu.scan <sum>, %select_n3A_297 masked %reduce_sum3A_306 : vector<16xf32>, vector<16xi1> -> vector<16xf32>
      %reduce_sum3A_308 = vector.extract %reduce_sum3A_307[15] : f32 from vector<16xf32>
      %add3A_309 = arith.addf %add3A_278, %reduce_sum3A_308 : f32
      %iota3A_310 = tpu.iota {dimensions = array<i32: 0>} : vector<16xi32>
      %add3A_311 = arith.constant 0 : i32
      %add3A_312 = vector.broadcast %add3A_311 : i32 to vector<16xi32>
      %add3A_313 = arith.addi %iota3A_310, %add3A_312 : vector<16xi32>
      %sub3A = arith.constant 1 : i32
      %sub3A_314 = vector.broadcast %sub3A : i32 to vector<16xi32>
      %sub3A_315 = arith.subi %add3A_313, %sub3A_314 : vector<16xi32>
      %jit3A_316 = arith.constant 0 : i32
      %jit3A_317 = arith.constant 99 : i32
      %max3A = vector.broadcast %jit3A_316 : i32 to vector<16xi32>
      %max3A_318 = arith.maxsi %max3A, %sub3A_315 : vector<16xi32>
      %min3A = vector.broadcast %jit3A_317 : i32 to vector<16xi32>
      %min3A_319 = arith.minsi %min3A, %max3A_318 : vector<16xi32>
      %gather3A = tpu.vector_load_idx %arg9[%min3A_319] : memref<112xf32, #tpu.memory_space<vmem>>[vector<16xi32>], vector<16xf32>,
      %add3A_320 = arith.constant 112 : i32
      %add3A_321 = vector.broadcast %add3A_320 : i32 to vector<16xi32>
      %add3A_322 = arith.addi %min3A_319, %add3A_321 : vector<16xi32>
      %gather3A_323 = tpu.vector_load_idx %arg7[%add3A_322] : memref<240xf32, #tpu.memory_space<vmem>>[vector<16xi32>], vector<16xf32>,
      %get3A_324 = arith.constant 0 : index
      %get3A_325 = tpu.vector_load %arg8[%get3A_324] {strides = array<i32>} : memref<112xf32, #tpu.memory_space<vmem>>, vector<16xf32>,
      %mul3A_326 = arith.mulf %gather3A_323, %get3A_325 : vector<16xf32>
      %sub3A_327 = arith.subf %gather3A, %mul3A_326 : vector<16xf32>
      %swap3A_328 = arith.constant 0 : index
      %swap3A_329 = tpu.vector_load %arg10[%swap3A_328] {strides = array<i32>} : memref<112xf32, #tpu.memory_space<vmem>>, vector<16xf32>,
      tpu.vector_store %arg10[%swap3A_328], %sub3A_327 {strides = array<i32>} : memref<112xf32, #tpu.memory_space<vmem>>, vector<16xf32>,
      %iota3A_330 = tpu.iota {dimensions = array<i32: 0>} : vector<16xi32>
      %add3A_331 = arith.constant 16 : i32
      %add3A_332 = vector.broadcast %add3A_331 : i32 to vector<16xi32>
      %add3A_333 = arith.addi %iota3A_330, %add3A_332 : vector<16xi32>
      %sub3A_334 = arith.constant 1 : i32
      %sub3A_335 = vector.broadcast %sub3A_334 : i32 to vector<16xi32>
      %sub3A_336 = arith.subi %add3A_333, %sub3A_335 : vector<16xi32>
      %jit3A_337 = arith.constant 0 : i32
      %jit3A_338 = arith.constant 99 : i32
      %max3A_339 = vector.broadcast %jit3A_337 : i32 to vector<16xi32>
      %max3A_340 = arith.maxsi %max3A_339, %sub3A_336 : vector<16xi32>
      %min3A_341 = vector.broadcast %jit3A_338 : i32 to vector<16xi32>
      %min3A_342 = arith.minsi %min3A_341, %max3A_340 : vector<16xi32>
      %gather3A_343 = tpu.vector_load_idx %arg9[%min3A_342] : memref<112xf32, #tpu.memory_space<vmem>>[vector<16xi32>], vector<16xf32>,
      %add3A_344 = arith.constant 112 : i32
      %add3A_345 = vector.broadcast %add3A_344 : i32 to vector<16xi32>
      %add3A_346 = arith.addi %min3A_342, %add3A_345 : vector<16xi32>
      %gather3A_347 = tpu.vector_load_idx %arg7[%add3A_346] : memref<240xf32, #tpu.memory_space<vmem>>[vector<16xi32>], vector<16xf32>,
      %get3A_348 = arith.constant 16 : index
      %get3A_349 = tpu.vector_load %arg8[%get3A_348] {strides = array<i32>} : memref<112xf32, #tpu.memory_space<vmem>>, vector<16xf32>,
      %mul3A_350 = arith.mulf %gather3A_347, %get3A_349 : vector<16xf32>
      %sub3A_351 = arith.subf %gather3A_343, %mul3A_350 : vector<16xf32>
      %swap3A_352 = arith.constant 16 : index
      %swap3A_353 = tpu.vector_load %arg10[%swap3A_352] {strides = array<i32>} : memref<112xf32, #tpu.memory_space<vmem>>, vector<16xf32>,
      tpu.vector_store %arg10[%swap3A_352], %sub3A_351 {strides = array<i32>} : memref<112xf32, #tpu.memory_space<vmem>>, vector<16xf32>,
      %iota3A_354 = tpu.iota {dimensions = array<i32: 0>} : vector<16xi32>
      %add3A_355 = arith.constant 32 : i32
      %add3A_356 = vector.broadcast %add3A_355 : i32 to vector<16xi32>
      %add3A_357 = arith.addi %iota3A_354, %add3A_356 : vector<16xi32>
      %sub3A_358 = arith.constant 1 : i32
      %sub3A_359 = vector.broadcast %sub3A_358 : i32 to vector<16xi32>
      %sub3A_360 = arith.subi %add3A_357, %sub3A_359 : vector<16xi32>
      %jit3A_361 = arith.constant 0 : i32
      %jit3A_362 = arith.constant 99 : i32
      %max3A_363 = vector.broadcast %jit3A_361 : i32 to vector<16xi32>
      %max3A_364 = arith.maxsi %max3A_363, %sub3A_360 : vector<16xi32>
      %min3A_365 = vector.broadcast %jit3A_362 : i32 to vector<16xi32>
      %min3A_366 = arith.minsi %min3A_365, %max3A_364 : vector<16xi32>
      %gather3A_367 = tpu.vector_load_idx %arg9[%min3A_366] : memref<112xf32, #tpu.memory_space<vmem>>[vector<16xi32>], vector<16xf32>,
      %add3A_368 = arith.constant 112 : i32
      %add3A_369 = vector.broadcast %add3A_368 : i32 to vector<16xi32>
      %add3A_370 = arith.addi %min3A_366, %add3A_369 : vector<16xi32>
      %gather3A_371 = tpu.vector_load_idx %arg7[%add3A_370] : memref<240xf32, #tpu.memory_space<vmem>>[vector<16xi32>], vector<16xf32>,
      %get3A_372 = arith.constant 32 : index
      %get3A_373 = tpu.vector_load %arg8[%get3A_372] {strides = array<i32>} : memref<112xf32, #tpu.memory_space<vmem>>, vector<16xf32>,
      %mul3A_374 = arith.mulf %gather3A_371, %get3A_373 : vector<16xf32>
      %sub3A_375 = arith.subf %gather3A_367, %mul3A_374 : vector<16xf32>
      %swap3A_376 = arith.constant 32 : index
      %swap3A_377 = tpu.vector_load %arg10[%swap3A_376] {strides = array<i32>} : memref<112xf32, #tpu.memory_space<vmem>>, vector<16xf32>,
      tpu.vector_store %arg10[%swap3A_376], %sub3A_375 {strides = array<i32>} : memref<112xf32, #tpu.memory_space<vmem>>, vector<16xf32>,
      %iota3A_378 = tpu.iota {dimensions = array<i32: 0>} : vector<16xi32>
      %add3A_379 = arith.constant 48 : i32
      %add3A_380 = vector.broadcast %add3A_379 : i32 to vector<16xi32>
      %add3A_381 = arith.addi %iota3A_378, %add3A_380 : vector<16xi32>
      %sub3A_382 = arith.constant 1 : i32
      %sub3A_383 = vector.broadcast %sub3A_382 : i32 to vector<16xi32>
      %sub3A_384 = arith.subi %add3A_381, %sub3A_383 : vector<16xi32>
      %jit3A_385 = arith.constant 0 : i32
      %jit3A_386 = arith.constant 99 : i32
      %max3A_387 = vector.broadcast %jit3A_385 : i32 to vector<16xi32>
      %max3A_388 = arith.maxsi %max3A_387, %sub3A_384 : vector<16xi32>
      %min3A_389 = vector.broadcast %jit3A_386 : i32 to vector<16xi32>
      %min3A_390 = arith.minsi %min3A_389, %max3A_388 : vector<16xi32>
      %gather3A_391 = tpu.vector_load_idx %arg9[%min3A_390] : memref<112xf32, #tpu.memory_space<vmem>>[vector<16xi32>], vector<16xf32>,
      %add3A_392 = arith.constant 112 : i32
      %add3A_393 = vector.broadcast %add3A_392 : i32 to vector<16xi32>
      %add3A_394 = arith.addi %min3A_390, %add3A_393 : vector<16xi32>
      %gather3A_395 = tpu.vector_load_idx %arg7[%add3A_394] : memref<240xf32, #tpu.memory_space<vmem>>[vector<16xi32>], vector<16xf32>,
      %get3A_396 = arith.constant 48 : index
      %get3A_397 = tpu.vector_load %arg8[%get3A_396] {strides = array<i32>} : memref<112xf32, #tpu.memory_space<vmem>>, vector<16xf32>,
      %mul3A_398 = arith.mulf %gather3A_395, %get3A_397 : vector<16xf32>
      %sub3A_399 = arith.subf %gather3A_391, %mul3A_398 : vector<16xf32>
      %swap3A_400 = arith.constant 48 : index
      %swap3A_401 = tpu.vector_load %arg10[%swap3A_400] {strides = array<i32>} : memref<112xf32, #tpu.memory_space<vmem>>, vector<16xf32>,
      tpu.vector_store %arg10[%swap3A_400], %sub3A_399 {strides = array<i32>} : memref<112xf32, #tpu.memory_space<vmem>>, vector<16xf32>,
      %iota3A_402 = tpu.iota {dimensions = array<i32: 0>} : vector<16xi32>
      %add3A_403 = arith.constant 64 : i32
      %add3A_404 = vector.broadcast %add3A_403 : i32 to vector<16xi32>
      %add3A_405 = arith.addi %iota3A_402, %add3A_404 : vector<16xi32>
      %sub3A_406 = arith.constant 1 : i32
      %sub3A_407 = vector.broadcast %sub3A_406 : i32 to vector<16xi32>
      %sub3A_408 = arith.subi %add3A_405, %sub3A_407 : vector<16xi32>
      %jit3A_409 = arith.constant 0 : i32
      %jit3A_410 = arith.constant 99 : i32
      %max3A_411 = vector.broadcast %jit3A_409 : i32 to vector<16xi32>
      %max3A_412 = arith.maxsi %max3A_411, %sub3A_408 : vector<16xi32>
      %min3A_413 = vector.broadcast %jit3A_410 : i32 to vector<16xi32>
      %min3A_414 = arith.minsi %min3A_413, %max3A_412 : vector<16xi32>
      %gather3A_415 = tpu.vector_load_idx %arg9[%min3A_414] : memref<112xf32, #tpu.memory_space<vmem>>[vector<16xi32>], vector<16xf32>,
      %add3A_416 = arith.constant 112 : i32
      %add3A_417 = vector.broadcast %add3A_416 : i32 to vector<16xi32>
      %add3A_418 = arith.addi %min3A_414, %add3A_417 : vector<16xi32>
      %gather3A_419 = tpu.vector_load_idx %arg7[%add3A_418] : memref<240xf32, #tpu.memory_space<vmem>>[vector<16xi32>], vector<16xf32>,
      %get3A_420 = arith.constant 64 : index
      %get3A_421 = tpu.vector_load %arg8[%get3A_420] {strides = array<i32>} : memref<112xf32, #tpu.memory_space<vmem>>, vector<16xf32>,
      %mul3A_422 = arith.mulf %gather3A_419, %get3A_421 : vector<16xf32>
      %sub3A_423 = arith.subf %gather3A_415, %mul3A_422 : vector<16xf32>
      %swap3A_424 = arith.constant 64 : index
      %swap3A_425 = tpu.vector_load %arg10[%swap3A_424] {strides = array<i32>} : memref<112xf32, #tpu.memory_space<vmem>>, vector<16xf32>,
      tpu.vector_store %arg10[%swap3A_424], %sub3A_423 {strides = array<i32>} : memref<112xf32, #tpu.memory_space<vmem>>, vector<16xf32>,
      %iota3A_426 = tpu.iota {dimensions = array<i32: 0>} : vector<16xi32>
      %add3A_427 = arith.constant 80 : i32
      %add3A_428 = vector.broadcast %add3A_427 : i32 to vector<16xi32>
      %add3A_429 = arith.addi %iota3A_426, %add3A_428 : vector<16xi32>
      %sub3A_430 = arith.constant 1 : i32
      %sub3A_431 = vector.broadcast %sub3A_430 : i32 to vector<16xi32>
      %sub3A_432 = arith.subi %add3A_429, %sub3A_431 : vector<16xi32>
      %jit3A_433 = arith.constant 0 : i32
      %jit3A_434 = arith.constant 99 : i32
      %max3A_435 = vector.broadcast %jit3A_433 : i32 to vector<16xi32>
      %max3A_436 = arith.maxsi %max3A_435, %sub3A_432 : vector<16xi32>
      %min3A_437 = vector.broadcast %jit3A_434 : i32 to vector<16xi32>
      %min3A_438 = arith.minsi %min3A_437, %max3A_436 : vector<16xi32>
      %gather3A_439 = tpu.vector_load_idx %arg9[%min3A_438] : memref<112xf32, #tpu.memory_space<vmem>>[vector<16xi32>], vector<16xf32>,
      %add3A_440 = arith.constant 112 : i32
      %add3A_441 = vector.broadcast %add3A_440 : i32 to vector<16xi32>
      %add3A_442 = arith.addi %min3A_438, %add3A_441 : vector<16xi32>
      %gather3A_443 = tpu.vector_load_idx %arg7[%add3A_442] : memref<240xf32, #tpu.memory_space<vmem>>[vector<16xi32>], vector<16xf32>,
      %get3A_444 = arith.constant 80 : index
      %get3A_445 = tpu.vector_load %arg8[%get3A_444] {strides = array<i32>} : memref<112xf32, #tpu.memory_space<vmem>>, vector<16xf32>,
      %mul3A_446 = arith.mulf %gather3A_443, %get3A_445 : vector<16xf32>
      %sub3A_447 = arith.subf %gather3A_439, %mul3A_446 : vector<16xf32>
      %swap3A_448 = arith.constant 80 : index
      %swap3A_449 = tpu.vector_load %arg10[%swap3A_448] {strides = array<i32>} : memref<112xf32, #tpu.memory_space<vmem>>, vector<16xf32>,
      tpu.vector_store %arg10[%swap3A_448], %sub3A_447 {strides = array<i32>} : memref<112xf32, #tpu.memory_space<vmem>>, vector<16xf32>,
      %iota3A_450 = tpu.iota {dimensions = array<i32: 0>} : vector<16xi32>
      %add3A_451 = arith.constant 96 : i32
      %add3A_452 = vector.broadcast %add3A_451 : i32 to vector<16xi32>
      %add3A_453 = arith.addi %iota3A_450, %add3A_452 : vector<16xi32>
      %sub3A_454 = arith.constant 1 : i32
      %sub3A_455 = vector.broadcast %sub3A_454 : i32 to vector<16xi32>
      %sub3A_456 = arith.subi %add3A_453, %sub3A_455 : vector<16xi32>
      %jit3A_457 = arith.constant 0 : i32
      %jit3A_458 = arith.constant 99 : i32
      %max3A_459 = vector.broadcast %jit3A_457 : i32 to vector<16xi32>
      %max3A_460 = arith.maxsi %max3A_459, %sub3A_456 : vector<16xi32>
      %min3A_461 = vector.broadcast %jit3A_458 : i32 to vector<16xi32>
      %min3A_462 = arith.minsi %min3A_461, %max3A_460 : vector<16xi32>
      %gather3A_463 = tpu.vector_load_idx %arg9[%min3A_462] : memref<112xf32, #tpu.memory_space<vmem>>[vector<16xi32>], vector<16xf32>,
      %add3A_464 = arith.constant 112 : i32
      %add3A_465 = vector.broadcast %add3A_464 : i32 to vector<16xi32>
      %add3A_466 = arith.addi %min3A_462, %add3A_465 : vector<16xi32>
      %gather3A_467 = tpu.vector_load_idx %arg7[%add3A_466] : memref<240xf32, #tpu.memory_space<vmem>>[vector<16xi32>], vector<16xf32>,
      %get3A_468 = arith.constant 96 : index
      %get3A_469 = tpu.vector_load %arg8[%get3A_468] {strides = array<i32>} : memref<112xf32, #tpu.memory_space<vmem>>, vector<16xf32>,
      %mul3A_470 = arith.mulf %gather3A_467, %get3A_469 : vector<16xf32>
      %sub3A_471 = arith.subf %gather3A_463, %mul3A_470 : vector<16xf32>
      %swap3A_472 = arith.constant 96 : index
      %swap3A_473 = tpu.vector_load %arg10[%swap3A_472] {strides = array<i32>} : memref<112xf32, #tpu.memory_space<vmem>>, vector<16xf32>,
      tpu.vector_store %arg10[%swap3A_472], %sub3A_471 {strides = array<i32>} : memref<112xf32, #tpu.memory_space<vmem>>, vector<16xf32>,
      %dma_wait3A_474 = arith.constant 0 : i32
      %dma_wait3A_475 = tpu.memref_slice %arg11[%dma_wait3A_474] : memref<15632xf32, #tpu.memory_space<vmem>> -> memref<7808xf32, #tpu.memory_space<vmem>>
      %dma_wait3A_476 = tpu.memref_slice %arg5[%add3A_21] : memref<500000xf32, #tpu.memory_space<hbm>> -> memref<7808xf32, #tpu.memory_space<hbm>>
      %dma_wait3A_477 = arith.constant 0 : i32
      %dma_wait3A_478 = tpu.memref_slice %arg11[%dma_wait3A_477] : memref<15632xf32, #tpu.memory_space<vmem>> -> memref<7808xf32, #tpu.memory_space<vmem>>
      %dma_wait3A_479 = tpu.memref_slice %arg5[%add3A_21] : memref<500000xf32, #tpu.memory_space<hbm>> -> memref<7808xf32, #tpu.memory_space<hbm>>
      tpu.wait_dma2 semaphore(%arg14 : memref<!tpu.dma_semaphore, #tpu.memory_space<semaphore_mem>>) src(%dma_wait3A_479 : memref<7808xf32, #tpu.memory_space<hbm>>) dst(%dma_wait3A_478 : memref<7808xf32, #tpu.memory_space<vmem>>)
      %scan3A = arith.constant 0 : i32
      %scan3A_480 = arith.constant 122 : i32
      %scan3A_481 = arith.addi %scan3A, %scan3A_480 : i32
      %scan3A_482 = arith.constant 1 : i32
      scf.for %scan3A_550 = %scan3A to %scan3A_481 step %scan3A_482  : i32 {
        %mul3A_551 = arith.constant 64 : i32
        %mul3A_552 = arith.muli %scan3A_550, %mul3A_551 : i32
        %add3A_553 = arith.constant 0 : i32
        %add3A_554 = arith.addi %add3A_553, %mul3A_552 : i32
        %add3A_555 = arith.constant 0 : i32
        %add3A_556 = arith.addi %add3A_554, %add3A_555 : i32
        %get3A_557 = arith.index_cast %add3A_556 : i32 to index
        %get3A_558 = tpu.vector_load %arg11[%get3A_557] {strides = array<i32>} : memref<15632xf32, #tpu.memory_space<vmem>>, vector<16xf32>,
        %mul3A_559 = arith.constant 9.89999961 : f32
        %mul3A_560 = vector.broadcast %mul3A_559 : f32 to vector<16xf32>
        %mul3A_561 = arith.mulf %get3A_558, %mul3A_560 : vector<16xf32>
        %add3A_562 = arith.constant 5.050000e+01 : f32
        %add3A_563 = vector.broadcast %add3A_562 : f32 to vector<16xf32>
        %add3A_564 = arith.addf %mul3A_561, %add3A_563 : vector<16xf32>
        %jit3A_565 = arith.constant 0.000000e+00 : f32
        %jit3A_566 = arith.constant 1.000000e+02 : f32
        %max3A_567 = vector.broadcast %jit3A_565 : f32 to vector<16xf32>
        %max3A_568 = arith.maximumf %max3A_567, %add3A_564 : vector<16xf32>
        %min3A_569 = vector.broadcast %jit3A_566 : f32 to vector<16xf32>
        %min3A_570 = arith.minimumf %min3A_569, %max3A_568 : vector<16xf32>
        %convert_element_type3A_571 = arith.fptosi %min3A_570 : vector<16xf32> to vector<16xi32>
        %gather3A_572 = tpu.vector_load_idx %arg8[%convert_element_type3A_571] : memref<112xf32, #tpu.memory_space<vmem>>[vector<16xi32>], vector<16xf32>,
        %gather3A_573 = tpu.vector_load_idx %arg10[%convert_element_type3A_571] : memref<112xf32, #tpu.memory_space<vmem>>[vector<16xi32>], vector<16xf32>,
        %mul3A_574 = arith.mulf %get3A_558, %gather3A_572 : vector<16xf32>
        %add3A_575 = arith.addf %mul3A_574, %gather3A_573 : vector<16xf32>
        %swap3A_576 = arith.index_cast %add3A_556 : i32 to index
        %swap3A_577 = tpu.vector_load %arg12[%swap3A_576] {strides = array<i32>} : memref<15632xf32, #tpu.memory_space<vmem>>, vector<16xf32>,
        tpu.vector_store %arg12[%swap3A_576], %add3A_575 {strides = array<i32>} : memref<15632xf32, #tpu.memory_space<vmem>>, vector<16xf32>,
        %add3A_578 = arith.constant 16 : i32
        %add3A_579 = arith.addi %add3A_554, %add3A_578 : i32
        %get3A_580 = arith.index_cast %add3A_579 : i32 to index
        %get3A_581 = tpu.vector_load %arg11[%get3A_580] {strides = array<i32>} : memref<15632xf32, #tpu.memory_space<vmem>>, vector<16xf32>,
        %mul3A_582 = arith.constant 9.89999961 : f32
        %mul3A_583 = vector.broadcast %mul3A_582 : f32 to vector<16xf32>
        %mul3A_584 = arith.mulf %get3A_581, %mul3A_583 : vector<16xf32>
        %add3A_585 = arith.constant 5.050000e+01 : f32
        %add3A_586 = vector.broadcast %add3A_585 : f32 to vector<16xf32>
        %add3A_587 = arith.addf %mul3A_584, %add3A_586 : vector<16xf32>
        %jit3A_588 = arith.constant 0.000000e+00 : f32
        %jit3A_589 = arith.constant 1.000000e+02 : f32
        %max3A_590 = vector.broadcast %jit3A_588 : f32 to vector<16xf32>
        %max3A_591 = arith.maximumf %max3A_590, %add3A_587 : vector<16xf32>
        %min3A_592 = vector.broadcast %jit3A_589 : f32 to vector<16xf32>
        %min3A_593 = arith.minimumf %min3A_592, %max3A_591 : vector<16xf32>
        %convert_element_type3A_594 = arith.fptosi %min3A_593 : vector<16xf32> to vector<16xi32>
        %gather3A_595 = tpu.vector_load_idx %arg8[%convert_element_type3A_594] : memref<112xf32, #tpu.memory_space<vmem>>[vector<16xi32>], vector<16xf32>,
        %gather3A_596 = tpu.vector_load_idx %arg10[%convert_element_type3A_594] : memref<112xf32, #tpu.memory_space<vmem>>[vector<16xi32>], vector<16xf32>,
        %mul3A_597 = arith.mulf %get3A_581, %gather3A_595 : vector<16xf32>
        %add3A_598 = arith.addf %mul3A_597, %gather3A_596 : vector<16xf32>
        %swap3A_599 = arith.index_cast %add3A_579 : i32 to index
        %swap3A_600 = tpu.vector_load %arg12[%swap3A_599] {strides = array<i32>} : memref<15632xf32, #tpu.memory_space<vmem>>, vector<16xf32>,
        tpu.vector_store %arg12[%swap3A_599], %add3A_598 {strides = array<i32>} : memref<15632xf32, #tpu.memory_space<vmem>>, vector<16xf32>,
        %add3A_601 = arith.constant 32 : i32
        %add3A_602 = arith.addi %add3A_554, %add3A_601 : i32
        %get3A_603 = arith.index_cast %add3A_602 : i32 to index
        %get3A_604 = tpu.vector_load %arg11[%get3A_603] {strides = array<i32>} : memref<15632xf32, #tpu.memory_space<vmem>>, vector<16xf32>,
        %mul3A_605 = arith.constant 9.89999961 : f32
        %mul3A_606 = vector.broadcast %mul3A_605 : f32 to vector<16xf32>
        %mul3A_607 = arith.mulf %get3A_604, %mul3A_606 : vector<16xf32>
        %add3A_608 = arith.constant 5.050000e+01 : f32
        %add3A_609 = vector.broadcast %add3A_608 : f32 to vector<16xf32>
        %add3A_610 = arith.addf %mul3A_607, %add3A_609 : vector<16xf32>
        %jit3A_611 = arith.constant 0.000000e+00 : f32
        %jit3A_612 = arith.constant 1.000000e+02 : f32
        %max3A_613 = vector.broadcast %jit3A_611 : f32 to vector<16xf32>
        %max3A_614 = arith.maximumf %max3A_613, %add3A_610 : vector<16xf32>
        %min3A_615 = vector.broadcast %jit3A_612 : f32 to vector<16xf32>
        %min3A_616 = arith.minimumf %min3A_615, %max3A_614 : vector<16xf32>
        %convert_element_type3A_617 = arith.fptosi %min3A_616 : vector<16xf32> to vector<16xi32>
        %gather3A_618 = tpu.vector_load_idx %arg8[%convert_element_type3A_617] : memref<112xf32, #tpu.memory_space<vmem>>[vector<16xi32>], vector<16xf32>,
        %gather3A_619 = tpu.vector_load_idx %arg10[%convert_element_type3A_617] : memref<112xf32, #tpu.memory_space<vmem>>[vector<16xi32>], vector<16xf32>,
        %mul3A_620 = arith.mulf %get3A_604, %gather3A_618 : vector<16xf32>
        %add3A_621 = arith.addf %mul3A_620, %gather3A_619 : vector<16xf32>
        %swap3A_622 = arith.index_cast %add3A_602 : i32 to index
        %swap3A_623 = tpu.vector_load %arg12[%swap3A_622] {strides = array<i32>} : memref<15632xf32, #tpu.memory_space<vmem>>, vector<16xf32>,
        tpu.vector_store %arg12[%swap3A_622], %add3A_621 {strides = array<i32>} : memref<15632xf32, #tpu.memory_space<vmem>>, vector<16xf32>,
        %add3A_624 = arith.constant 48 : i32
        %add3A_625 = arith.addi %add3A_554, %add3A_624 : i32
        %get3A_626 = arith.index_cast %add3A_625 : i32 to index
        %get3A_627 = tpu.vector_load %arg11[%get3A_626] {strides = array<i32>} : memref<15632xf32, #tpu.memory_space<vmem>>, vector<16xf32>,
        %mul3A_628 = arith.constant 9.89999961 : f32
        %mul3A_629 = vector.broadcast %mul3A_628 : f32 to vector<16xf32>
        %mul3A_630 = arith.mulf %get3A_627, %mul3A_629 : vector<16xf32>
        %add3A_631 = arith.constant 5.050000e+01 : f32
        %add3A_632 = vector.broadcast %add3A_631 : f32 to vector<16xf32>
        %add3A_633 = arith.addf %mul3A_630, %add3A_632 : vector<16xf32>
        %jit3A_634 = arith.constant 0.000000e+00 : f32
        %jit3A_635 = arith.constant 1.000000e+02 : f32
        %max3A_636 = vector.broadcast %jit3A_634 : f32 to vector<16xf32>
        %max3A_637 = arith.maximumf %max3A_636, %add3A_633 : vector<16xf32>
        %min3A_638 = vector.broadcast %jit3A_635 : f32 to vector<16xf32>
        %min3A_639 = arith.minimumf %min3A_638, %max3A_637 : vector<16xf32>
        %convert_element_type3A_640 = arith.fptosi %min3A_639 : vector<16xf32> to vector<16xi32>
        %gather3A_641 = tpu.vector_load_idx %arg8[%convert_element_type3A_640] : memref<112xf32, #tpu.memory_space<vmem>>[vector<16xi32>], vector<16xf32>,
        %gather3A_642 = tpu.vector_load_idx %arg10[%convert_element_type3A_640] : memref<112xf32, #tpu.memory_space<vmem>>[vector<16xi32>], vector<16xf32>,
        %mul3A_643 = arith.mulf %get3A_627, %gather3A_641 : vector<16xf32>
        %add3A_644 = arith.addf %mul3A_643, %gather3A_642 : vector<16xf32>
        %swap3A_645 = arith.index_cast %add3A_625 : i32 to index
        %swap3A_646 = tpu.vector_load %arg12[%swap3A_645] {strides = array<i32>} : memref<15632xf32, #tpu.memory_space<vmem>>, vector<16xf32>,
        tpu.vector_store %arg12[%swap3A_645], %add3A_644 {strides = array<i32>} : memref<15632xf32, #tpu.memory_space<vmem>>, vector<16xf32>,
      }
      %scan3A_483 = arith.constant 122 : i32
      %add3A_484 = arith.constant 0 : i32
      %add3A_485 = arith.addi %mul3A_13, %add3A_484 : i32
      %dma_start3A_486 = arith.constant 0 : i32
      %dma_start3A_487 = tpu.memref_slice %arg12[%dma_start3A_486] : memref<15632xf32, #tpu.memory_space<vmem>> -> memref<7808xf32, #tpu.memory_space<vmem>>
      %dma_start3A_488 = tpu.memref_slice %arg6[%add3A_485] : memref<500000xf32, #tpu.memory_space<hbm>> -> memref<7808xf32, #tpu.memory_space<hbm>>
      %dma_start3A_489 = tpu.memref_slice %arg6[%add3A_485] : memref<500000xf32, #tpu.memory_space<hbm>> -> memref<7808xf32, #tpu.memory_space<hbm>>
      %dma_start3A_490 = arith.constant 0 : i32
      %dma_start3A_491 = tpu.memref_slice %arg12[%dma_start3A_490] : memref<15632xf32, #tpu.memory_space<vmem>> -> memref<7808xf32, #tpu.memory_space<vmem>>
      tpu.enqueue_dma source(%dma_start3A_491 : memref<7808xf32, #tpu.memory_space<vmem>>) target(%dma_start3A_489 : memref<7808xf32, #tpu.memory_space<hbm>>) target_semaphore(%arg14 : memref<!tpu.dma_semaphore, #tpu.memory_space<semaphore_mem>>)
      %dma_wait3A_492 = arith.constant 7808 : i32
      %dma_wait3A_493 = tpu.memref_slice %arg11[%dma_wait3A_492] : memref<15632xf32, #tpu.memory_space<vmem>> -> memref<7824xf32, #tpu.memory_space<vmem>>
      %dma_wait3A_494 = tpu.memref_slice %arg5[%add3A_29] : memref<500000xf32, #tpu.memory_space<hbm>> -> memref<7824xf32, #tpu.memory_space<hbm>>
      %dma_wait3A_495 = arith.constant 7808 : i32
      %dma_wait3A_496 = tpu.memref_slice %arg11[%dma_wait3A_495] : memref<15632xf32, #tpu.memory_space<vmem>> -> memref<7824xf32, #tpu.memory_space<vmem>>
      %dma_wait3A_497 = tpu.memref_slice %arg5[%add3A_29] : memref<500000xf32, #tpu.memory_space<hbm>> -> memref<7824xf32, #tpu.memory_space<hbm>>
      tpu.wait_dma2 semaphore(%arg15 : memref<!tpu.dma_semaphore, #tpu.memory_space<semaphore_mem>>) src(%dma_wait3A_497 : memref<7824xf32, #tpu.memory_space<hbm>>) dst(%dma_wait3A_496 : memref<7824xf32, #tpu.memory_space<vmem>>)
      %scan3A_498 = arith.constant 0 : i32
      %scan3A_499 = arith.constant 122 : i32
      %scan3A_500 = arith.addi %scan3A_498, %scan3A_499 : i32
      %scan3A_501 = arith.constant 1 : i32
      scf.for %scan3A_550 = %scan3A_498 to %scan3A_500 step %scan3A_501  : i32 {
        %mul3A_551 = arith.constant 64 : i32
        %mul3A_552 = arith.muli %scan3A_550, %mul3A_551 : i32
        %add3A_553 = arith.constant 7808 : i32
        %add3A_554 = arith.addi %add3A_553, %mul3A_552 : i32
        %add3A_555 = arith.constant 0 : i32
        %add3A_556 = arith.addi %add3A_554, %add3A_555 : i32
        %get3A_557 = arith.index_cast %add3A_556 : i32 to index
        %get3A_558 = tpu.vector_load %arg11[%get3A_557] {strides = array<i32>} : memref<15632xf32, #tpu.memory_space<vmem>>, vector<16xf32>,
        %mul3A_559 = arith.constant 9.89999961 : f32
        %mul3A_560 = vector.broadcast %mul3A_559 : f32 to vector<16xf32>
        %mul3A_561 = arith.mulf %get3A_558, %mul3A_560 : vector<16xf32>
        %add3A_562 = arith.constant 5.050000e+01 : f32
        %add3A_563 = vector.broadcast %add3A_562 : f32 to vector<16xf32>
        %add3A_564 = arith.addf %mul3A_561, %add3A_563 : vector<16xf32>
        %jit3A_565 = arith.constant 0.000000e+00 : f32
        %jit3A_566 = arith.constant 1.000000e+02 : f32
        %max3A_567 = vector.broadcast %jit3A_565 : f32 to vector<16xf32>
        %max3A_568 = arith.maximumf %max3A_567, %add3A_564 : vector<16xf32>
        %min3A_569 = vector.broadcast %jit3A_566 : f32 to vector<16xf32>
        %min3A_570 = arith.minimumf %min3A_569, %max3A_568 : vector<16xf32>
        %convert_element_type3A_571 = arith.fptosi %min3A_570 : vector<16xf32> to vector<16xi32>
        %gather3A_572 = tpu.vector_load_idx %arg8[%convert_element_type3A_571] : memref<112xf32, #tpu.memory_space<vmem>>[vector<16xi32>], vector<16xf32>,
        %gather3A_573 = tpu.vector_load_idx %arg10[%convert_element_type3A_571] : memref<112xf32, #tpu.memory_space<vmem>>[vector<16xi32>], vector<16xf32>,
        %mul3A_574 = arith.mulf %get3A_558, %gather3A_572 : vector<16xf32>
        %add3A_575 = arith.addf %mul3A_574, %gather3A_573 : vector<16xf32>
        %swap3A_576 = arith.index_cast %add3A_556 : i32 to index
        %swap3A_577 = tpu.vector_load %arg12[%swap3A_576] {strides = array<i32>} : memref<15632xf32, #tpu.memory_space<vmem>>, vector<16xf32>,
        tpu.vector_store %arg12[%swap3A_576], %add3A_575 {strides = array<i32>} : memref<15632xf32, #tpu.memory_space<vmem>>, vector<16xf32>,
        %add3A_578 = arith.constant 16 : i32
        %add3A_579 = arith.addi %add3A_554, %add3A_578 : i32
        %get3A_580 = arith.index_cast %add3A_579 : i32 to index
        %get3A_581 = tpu.vector_load %arg11[%get3A_580] {strides = array<i32>} : memref<15632xf32, #tpu.memory_space<vmem>>, vector<16xf32>,
        %mul3A_582 = arith.constant 9.89999961 : f32
        %mul3A_583 = vector.broadcast %mul3A_582 : f32 to vector<16xf32>
        %mul3A_584 = arith.mulf %get3A_581, %mul3A_583 : vector<16xf32>
        %add3A_585 = arith.constant 5.050000e+01 : f32
        %add3A_586 = vector.broadcast %add3A_585 : f32 to vector<16xf32>
        %add3A_587 = arith.addf %mul3A_584, %add3A_586 : vector<16xf32>
        %jit3A_588 = arith.constant 0.000000e+00 : f32
        %jit3A_589 = arith.constant 1.000000e+02 : f32
        %max3A_590 = vector.broadcast %jit3A_588 : f32 to vector<16xf32>
        %max3A_591 = arith.maximumf %max3A_590, %add3A_587 : vector<16xf32>
        %min3A_592 = vector.broadcast %jit3A_589 : f32 to vector<16xf32>
        %min3A_593 = arith.minimumf %min3A_592, %max3A_591 : vector<16xf32>
        %convert_element_type3A_594 = arith.fptosi %min3A_593 : vector<16xf32> to vector<16xi32>
        %gather3A_595 = tpu.vector_load_idx %arg8[%convert_element_type3A_594] : memref<112xf32, #tpu.memory_space<vmem>>[vector<16xi32>], vector<16xf32>,
        %gather3A_596 = tpu.vector_load_idx %arg10[%convert_element_type3A_594] : memref<112xf32, #tpu.memory_space<vmem>>[vector<16xi32>], vector<16xf32>,
        %mul3A_597 = arith.mulf %get3A_581, %gather3A_595 : vector<16xf32>
        %add3A_598 = arith.addf %mul3A_597, %gather3A_596 : vector<16xf32>
        %swap3A_599 = arith.index_cast %add3A_579 : i32 to index
        %swap3A_600 = tpu.vector_load %arg12[%swap3A_599] {strides = array<i32>} : memref<15632xf32, #tpu.memory_space<vmem>>, vector<16xf32>,
        tpu.vector_store %arg12[%swap3A_599], %add3A_598 {strides = array<i32>} : memref<15632xf32, #tpu.memory_space<vmem>>, vector<16xf32>,
        %add3A_601 = arith.constant 32 : i32
        %add3A_602 = arith.addi %add3A_554, %add3A_601 : i32
        %get3A_603 = arith.index_cast %add3A_602 : i32 to index
        %get3A_604 = tpu.vector_load %arg11[%get3A_603] {strides = array<i32>} : memref<15632xf32, #tpu.memory_space<vmem>>, vector<16xf32>,
        %mul3A_605 = arith.constant 9.89999961 : f32
        %mul3A_606 = vector.broadcast %mul3A_605 : f32 to vector<16xf32>
        %mul3A_607 = arith.mulf %get3A_604, %mul3A_606 : vector<16xf32>
        %add3A_608 = arith.constant 5.050000e+01 : f32
        %add3A_609 = vector.broadcast %add3A_608 : f32 to vector<16xf32>
        %add3A_610 = arith.addf %mul3A_607, %add3A_609 : vector<16xf32>
        %jit3A_611 = arith.constant 0.000000e+00 : f32
        %jit3A_612 = arith.constant 1.000000e+02 : f32
        %max3A_613 = vector.broadcast %jit3A_611 : f32 to vector<16xf32>
        %max3A_614 = arith.maximumf %max3A_613, %add3A_610 : vector<16xf32>
        %min3A_615 = vector.broadcast %jit3A_612 : f32 to vector<16xf32>
        %min3A_616 = arith.minimumf %min3A_615, %max3A_614 : vector<16xf32>
        %convert_element_type3A_617 = arith.fptosi %min3A_616 : vector<16xf32> to vector<16xi32>
        %gather3A_618 = tpu.vector_load_idx %arg8[%convert_element_type3A_617] : memref<112xf32, #tpu.memory_space<vmem>>[vector<16xi32>], vector<16xf32>,
        %gather3A_619 = tpu.vector_load_idx %arg10[%convert_element_type3A_617] : memref<112xf32, #tpu.memory_space<vmem>>[vector<16xi32>], vector<16xf32>,
        %mul3A_620 = arith.mulf %get3A_604, %gather3A_618 : vector<16xf32>
        %add3A_621 = arith.addf %mul3A_620, %gather3A_619 : vector<16xf32>
        %swap3A_622 = arith.index_cast %add3A_602 : i32 to index
        %swap3A_623 = tpu.vector_load %arg12[%swap3A_622] {strides = array<i32>} : memref<15632xf32, #tpu.memory_space<vmem>>, vector<16xf32>,
        tpu.vector_store %arg12[%swap3A_622], %add3A_621 {strides = array<i32>} : memref<15632xf32, #tpu.memory_space<vmem>>, vector<16xf32>,
        %add3A_624 = arith.constant 48 : i32
        %add3A_625 = arith.addi %add3A_554, %add3A_624 : i32
        %get3A_626 = arith.index_cast %add3A_625 : i32 to index
        %get3A_627 = tpu.vector_load %arg11[%get3A_626] {strides = array<i32>} : memref<15632xf32, #tpu.memory_space<vmem>>, vector<16xf32>,
        %mul3A_628 = arith.constant 9.89999961 : f32
        %mul3A_629 = vector.broadcast %mul3A_628 : f32 to vector<16xf32>
        %mul3A_630 = arith.mulf %get3A_627, %mul3A_629 : vector<16xf32>
        %add3A_631 = arith.constant 5.050000e+01 : f32
        %add3A_632 = vector.broadcast %add3A_631 : f32 to vector<16xf32>
        %add3A_633 = arith.addf %mul3A_630, %add3A_632 : vector<16xf32>
        %jit3A_634 = arith.constant 0.000000e+00 : f32
        %jit3A_635 = arith.constant 1.000000e+02 : f32
        %max3A_636 = vector.broadcast %jit3A_634 : f32 to vector<16xf32>
        %max3A_637 = arith.maximumf %max3A_636, %add3A_633 : vector<16xf32>
        %min3A_638 = vector.broadcast %jit3A_635 : f32 to vector<16xf32>
        %min3A_639 = arith.minimumf %min3A_638, %max3A_637 : vector<16xf32>
        %convert_element_type3A_640 = arith.fptosi %min3A_639 : vector<16xf32> to vector<16xi32>
        %gather3A_641 = tpu.vector_load_idx %arg8[%convert_element_type3A_640] : memref<112xf32, #tpu.memory_space<vmem>>[vector<16xi32>], vector<16xf32>,
        %gather3A_642 = tpu.vector_load_idx %arg10[%convert_element_type3A_640] : memref<112xf32, #tpu.memory_space<vmem>>[vector<16xi32>], vector<16xf32>,
        %mul3A_643 = arith.mulf %get3A_627, %gather3A_641 : vector<16xf32>
        %add3A_644 = arith.addf %mul3A_643, %gather3A_642 : vector<16xf32>
        %swap3A_645 = arith.index_cast %add3A_625 : i32 to index
        %swap3A_646 = tpu.vector_load %arg12[%swap3A_645] {strides = array<i32>} : memref<15632xf32, #tpu.memory_space<vmem>>, vector<16xf32>,
        tpu.vector_store %arg12[%swap3A_645], %add3A_644 {strides = array<i32>} : memref<15632xf32, #tpu.memory_space<vmem>>, vector<16xf32>,
      }
      %scan3A_502 = arith.constant 122 : i32
      %scan3A_503 = arith.constant 0 : i32
      %mul3A_504 = arith.constant 16 : i32
      %mul3A_505 = arith.muli %scan3A_503, %mul3A_504 : i32
      %add3A_506 = arith.constant 15616 : i32
      %add3A_507 = arith.addi %add3A_506, %mul3A_505 : i32
      %get3A_508 = arith.index_cast %add3A_507 : i32 to index
      %get3A_509 = tpu.vector_load %arg11[%get3A_508] {strides = array<i32>} : memref<15632xf32, #tpu.memory_space<vmem>>, vector<16xf32>,
      %mul3A_510 = arith.constant 9.89999961 : f32
      %mul3A_511 = vector.broadcast %mul3A_510 : f32 to vector<16xf32>
      %mul3A_512 = arith.mulf %get3A_509, %mul3A_511 : vector<16xf32>
      %add3A_513 = arith.constant 5.050000e+01 : f32
      %add3A_514 = vector.broadcast %add3A_513 : f32 to vector<16xf32>
      %add3A_515 = arith.addf %mul3A_512, %add3A_514 : vector<16xf32>
      %jit3A_516 = arith.constant 0.000000e+00 : f32
      %jit3A_517 = arith.constant 1.000000e+02 : f32
      %max3A_518 = vector.broadcast %jit3A_516 : f32 to vector<16xf32>
      %max3A_519 = arith.maximumf %max3A_518, %add3A_515 : vector<16xf32>
      %min3A_520 = vector.broadcast %jit3A_517 : f32 to vector<16xf32>
      %min3A_521 = arith.minimumf %min3A_520, %max3A_519 : vector<16xf32>
      %convert_element_type3A_522 = arith.fptosi %min3A_521 : vector<16xf32> to vector<16xi32>
      %gather3A_523 = tpu.vector_load_idx %arg8[%convert_element_type3A_522] : memref<112xf32, #tpu.memory_space<vmem>>[vector<16xi32>], vector<16xf32>,
      %gather3A_524 = tpu.vector_load_idx %arg10[%convert_element_type3A_522] : memref<112xf32, #tpu.memory_space<vmem>>[vector<16xi32>], vector<16xf32>,
      %mul3A_525 = arith.mulf %get3A_509, %gather3A_523 : vector<16xf32>
      %add3A_526 = arith.addf %mul3A_525, %gather3A_524 : vector<16xf32>
      %swap3A_527 = arith.index_cast %add3A_507 : i32 to index
      %swap3A_528 = tpu.vector_load %arg12[%swap3A_527] {strides = array<i32>} : memref<15632xf32, #tpu.memory_space<vmem>>, vector<16xf32>,
      tpu.vector_store %arg12[%swap3A_527], %add3A_526 {strides = array<i32>} : memref<15632xf32, #tpu.memory_space<vmem>>, vector<16xf32>,
      %scan3A_529 = arith.constant 1 : i32
      %add3A_530 = arith.constant 7808 : i32
      %add3A_531 = arith.addi %mul3A_13, %add3A_530 : i32
      %dma_start3A_532 = arith.constant 7808 : i32
      %dma_start3A_533 = tpu.memref_slice %arg12[%dma_start3A_532] : memref<15632xf32, #tpu.memory_space<vmem>> -> memref<7824xf32, #tpu.memory_space<vmem>>
      %dma_start3A_534 = tpu.memref_slice %arg6[%add3A_531] : memref<500000xf32, #tpu.memory_space<hbm>> -> memref<7824xf32, #tpu.memory_space<hbm>>
      %dma_start3A_535 = tpu.memref_slice %arg6[%add3A_531] : memref<500000xf32, #tpu.memory_space<hbm>> -> memref<7824xf32, #tpu.memory_space<hbm>>
      %dma_start3A_536 = arith.constant 7808 : i32
      %dma_start3A_537 = tpu.memref_slice %arg12[%dma_start3A_536] : memref<15632xf32, #tpu.memory_space<vmem>> -> memref<7824xf32, #tpu.memory_space<vmem>>
      tpu.enqueue_dma source(%dma_start3A_537 : memref<7824xf32, #tpu.memory_space<vmem>>) target(%dma_start3A_535 : memref<7824xf32, #tpu.memory_space<hbm>>) target_semaphore(%arg15 : memref<!tpu.dma_semaphore, #tpu.memory_space<semaphore_mem>>)
      %dma_wait3A_538 = arith.constant 0 : i32
      %dma_wait3A_539 = tpu.memref_slice %arg12[%dma_wait3A_538] : memref<15632xf32, #tpu.memory_space<vmem>> -> memref<7808xf32, #tpu.memory_space<vmem>>
      %dma_wait3A_540 = tpu.memref_slice %arg6[%add3A_485] : memref<500000xf32, #tpu.memory_space<hbm>> -> memref<7808xf32, #tpu.memory_space<hbm>>
      %dma_wait3A_541 = tpu.memref_slice %arg6[%add3A_485] : memref<500000xf32, #tpu.memory_space<hbm>> -> memref<7808xf32, #tpu.memory_space<hbm>>
      %dma_wait3A_542 = arith.constant 0 : i32
      %dma_wait3A_543 = tpu.memref_slice %arg12[%dma_wait3A_542] : memref<15632xf32, #tpu.memory_space<vmem>> -> memref<7808xf32, #tpu.memory_space<vmem>>
      tpu.wait_dma2 semaphore(%arg14 : memref<!tpu.dma_semaphore, #tpu.memory_space<semaphore_mem>>) src(%dma_wait3A_543 : memref<7808xf32, #tpu.memory_space<vmem>>) dst(%dma_wait3A_541 : memref<7808xf32, #tpu.memory_space<hbm>>)
      %dma_wait3A_544 = arith.constant 7808 : i32
      %dma_wait3A_545 = tpu.memref_slice %arg12[%dma_wait3A_544] : memref<15632xf32, #tpu.memory_space<vmem>> -> memref<7824xf32, #tpu.memory_space<vmem>>
      %dma_wait3A_546 = tpu.memref_slice %arg6[%add3A_531] : memref<500000xf32, #tpu.memory_space<hbm>> -> memref<7824xf32, #tpu.memory_space<hbm>>
      %dma_wait3A_547 = tpu.memref_slice %arg6[%add3A_531] : memref<500000xf32, #tpu.memory_space<hbm>> -> memref<7824xf32, #tpu.memory_space<hbm>>
      %dma_wait3A_548 = arith.constant 7808 : i32
      %dma_wait3A_549 = tpu.memref_slice %arg12[%dma_wait3A_548] : memref<15632xf32, #tpu.memory_space<vmem>> -> memref<7824xf32, #tpu.memory_space<vmem>>
      tpu.wait_dma2 semaphore(%arg15 : memref<!tpu.dma_semaphore, #tpu.memory_space<semaphore_mem>>) src(%dma_wait3A_549 : memref<7824xf32, #tpu.memory_space<vmem>>) dst(%dma_wait3A_547 : memref<7824xf32, #tpu.memory_space<hbm>>)
    } else {
    }
    %eq3A = arith.constant 31 : i32
    %eq3A_16 = arith.cmpi eq, %add3A, %eq3A : i32
    %convert_element_type3A_17 = arith.extui %eq3A_16 : i1 to i32
    %cond3A_18 = arith.constant 0 : i32
    %cond3A_19 = arith.cmpi ne, %convert_element_type3A_17, %cond3A_18 : i32
    scf.if %cond3A_19 {
      %dma_start3A_20 = arith.constant 0 : i32
      %dma_start3A_21 = tpu.memref_slice %arg11[%dma_start3A_20] : memref<15632xf32, #tpu.memory_space<vmem>> -> memref<7680xf32, #tpu.memory_space<vmem>>
      %dma_start3A_22 = arith.constant 484592 : i32
      %dma_start3A_23 = tpu.memref_slice %arg5[%dma_start3A_22] : memref<500000xf32, #tpu.memory_space<hbm>> -> memref<7680xf32, #tpu.memory_space<hbm>>
      %dma_start3A_24 = arith.constant 0 : i32
      %dma_start3A_25 = tpu.memref_slice %arg11[%dma_start3A_24] : memref<15632xf32, #tpu.memory_space<vmem>> -> memref<7680xf32, #tpu.memory_space<vmem>>
      %dma_start3A_26 = arith.constant 484592 : i32
      %dma_start3A_27 = tpu.memref_slice %arg5[%dma_start3A_26] : memref<500000xf32, #tpu.memory_space<hbm>> -> memref<7680xf32, #tpu.memory_space<hbm>>
      tpu.enqueue_dma source(%dma_start3A_27 : memref<7680xf32, #tpu.memory_space<hbm>>) target(%dma_start3A_25 : memref<7680xf32, #tpu.memory_space<vmem>>) target_semaphore(%arg14 : memref<!tpu.dma_semaphore, #tpu.memory_space<semaphore_mem>>)
      %dma_start3A_28 = arith.constant 7680 : i32
      %dma_start3A_29 = tpu.memref_slice %arg11[%dma_start3A_28] : memref<15632xf32, #tpu.memory_space<vmem>> -> memref<7728xf32, #tpu.memory_space<vmem>>
      %dma_start3A_30 = arith.constant 492272 : i32
      %dma_start3A_31 = tpu.memref_slice %arg5[%dma_start3A_30] : memref<500000xf32, #tpu.memory_space<hbm>> -> memref<7728xf32, #tpu.memory_space<hbm>>
      %dma_start3A_32 = arith.constant 7680 : i32
      %dma_start3A_33 = tpu.memref_slice %arg11[%dma_start3A_32] : memref<15632xf32, #tpu.memory_space<vmem>> -> memref<7728xf32, #tpu.memory_space<vmem>>
      %dma_start3A_34 = arith.constant 492272 : i32
      %dma_start3A_35 = tpu.memref_slice %arg5[%dma_start3A_34] : memref<500000xf32, #tpu.memory_space<hbm>> -> memref<7728xf32, #tpu.memory_space<hbm>>
      tpu.enqueue_dma source(%dma_start3A_35 : memref<7728xf32, #tpu.memory_space<hbm>>) target(%dma_start3A_33 : memref<7728xf32, #tpu.memory_space<vmem>>) target_semaphore(%arg15 : memref<!tpu.dma_semaphore, #tpu.memory_space<semaphore_mem>>)
      %dma_wait3A = arith.constant 0 : i32
      %dma_wait3A_36 = tpu.memref_slice %arg7[%dma_wait3A] : memref<240xf32, #tpu.memory_space<vmem>> -> memref<101xf32, #tpu.memory_space<vmem>>
      %dma_wait3A_37 = arith.constant 0 : i32
      %dma_wait3A_38 = tpu.memref_slice %arg7[%dma_wait3A_37] : memref<240xf32, #tpu.memory_space<vmem>> -> memref<101xf32, #tpu.memory_space<vmem>>
      tpu.wait_dma2 semaphore(%arg13 : memref<!tpu.dma_semaphore, #tpu.memory_space<semaphore_mem>>) src(%arg2 : memref<101xf32, #tpu.memory_space<hbm>>) dst(%dma_wait3A_38 : memref<101xf32, #tpu.memory_space<vmem>>)
      %dma_wait3A_39 = arith.constant 112 : i32
      %dma_wait3A_40 = tpu.memref_slice %arg7[%dma_wait3A_39] : memref<240xf32, #tpu.memory_space<vmem>> -> memref<100xf32, #tpu.memory_space<vmem>>
      %dma_wait3A_41 = arith.constant 112 : i32
      %dma_wait3A_42 = tpu.memref_slice %arg7[%dma_wait3A_41] : memref<240xf32, #tpu.memory_space<vmem>> -> memref<100xf32, #tpu.memory_space<vmem>>
      tpu.wait_dma2 semaphore(%arg13 : memref<!tpu.dma_semaphore, #tpu.memory_space<semaphore_mem>>) src(%arg3 : memref<100xf32, #tpu.memory_space<hbm>>) dst(%dma_wait3A_42 : memref<100xf32, #tpu.memory_space<vmem>>)
      %dma_wait3A_43 = arith.constant 224 : i32
      %dma_wait3A_44 = tpu.memref_slice %arg7[%dma_wait3A_43] : memref<240xf32, #tpu.memory_space<vmem>> -> memref<1xf32, #tpu.memory_space<vmem>>
      %dma_wait3A_45 = arith.constant 224 : i32
      %dma_wait3A_46 = tpu.memref_slice %arg7[%dma_wait3A_45] : memref<240xf32, #tpu.memory_space<vmem>> -> memref<1xf32, #tpu.memory_space<vmem>>
      tpu.wait_dma2 semaphore(%arg13 : memref<!tpu.dma_semaphore, #tpu.memory_space<semaphore_mem>>) src(%arg4 : memref<1xf32, #tpu.memory_space<hbm>>) dst(%dma_wait3A_46 : memref<1xf32, #tpu.memory_space<vmem>>)
      %get3A = arith.constant 224 : index
      %get3A_47 = tpu.vector_load %arg7[%get3A] {strides = array<i32>} : memref<240xf32, #tpu.memory_space<vmem>>, vector<16xf32>,
      %slice3A = vector.extract_strided_slice %get3A_47 {offsets = [0], sizes = [1], strides = [1]} : vector<16xf32> to vector<1xf32>
      %squeeze3A = vector.extract %slice3A[0] : f32 from vector<1xf32>
      %get3A_48 = arith.constant 0 : index
      %get3A_49 = tpu.vector_load %arg7[%get3A_48] {strides = array<i32>} : memref<240xf32, #tpu.memory_space<vmem>>, vector<16xf32>,
      %exp3A = math.exp %get3A_49 : vector<16xf32>
      %add3A_50 = arith.constant 1.000000e-03 : f32
      %add3A_51 = vector.broadcast %add3A_50 : f32 to vector<16xf32>
      %add3A_52 = arith.addf %exp3A, %add3A_51 : vector<16xf32>
      %swap3A = arith.constant 0 : index
      %swap3A_53 = tpu.vector_load %arg8[%swap3A] {strides = array<i32>} : memref<112xf32, #tpu.memory_space<vmem>>, vector<16xf32>,
      tpu.vector_store %arg8[%swap3A], %add3A_52 {strides = array<i32>} : memref<112xf32, #tpu.memory_space<vmem>>, vector<16xf32>,
      %get3A_54 = arith.constant 16 : index
      %get3A_55 = tpu.vector_load %arg7[%get3A_54] {strides = array<i32>} : memref<240xf32, #tpu.memory_space<vmem>>, vector<16xf32>,
      %exp3A_56 = math.exp %get3A_55 : vector<16xf32>
      %add3A_57 = arith.constant 1.000000e-03 : f32
      %add3A_58 = vector.broadcast %add3A_57 : f32 to vector<16xf32>
      %add3A_59 = arith.addf %exp3A_56, %add3A_58 : vector<16xf32>
      %swap3A_60 = arith.constant 16 : index
      %swap3A_61 = tpu.vector_load %arg8[%swap3A_60] {strides = array<i32>} : memref<112xf32, #tpu.memory_space<vmem>>, vector<16xf32>,
      tpu.vector_store %arg8[%swap3A_60], %add3A_59 {strides = array<i32>} : memref<112xf32, #tpu.memory_space<vmem>>, vector<16xf32>,
      %get3A_62 = arith.constant 32 : index
      %get3A_63 = tpu.vector_load %arg7[%get3A_62] {strides = array<i32>} : memref<240xf32, #tpu.memory_space<vmem>>, vector<16xf32>,
      %exp3A_64 = math.exp %get3A_63 : vector<16xf32>
      %add3A_65 = arith.constant 1.000000e-03 : f32
      %add3A_66 = vector.broadcast %add3A_65 : f32 to vector<16xf32>
      %add3A_67 = arith.addf %exp3A_64, %add3A_66 : vector<16xf32>
      %swap3A_68 = arith.constant 32 : index
      %swap3A_69 = tpu.vector_load %arg8[%swap3A_68] {strides = array<i32>} : memref<112xf32, #tpu.memory_space<vmem>>, vector<16xf32>,
      tpu.vector_store %arg8[%swap3A_68], %add3A_67 {strides = array<i32>} : memref<112xf32, #tpu.memory_space<vmem>>, vector<16xf32>,
      %get3A_70 = arith.constant 48 : index
      %get3A_71 = tpu.vector_load %arg7[%get3A_70] {strides = array<i32>} : memref<240xf32, #tpu.memory_space<vmem>>, vector<16xf32>,
      %exp3A_72 = math.exp %get3A_71 : vector<16xf32>
      %add3A_73 = arith.constant 1.000000e-03 : f32
      %add3A_74 = vector.broadcast %add3A_73 : f32 to vector<16xf32>
      %add3A_75 = arith.addf %exp3A_72, %add3A_74 : vector<16xf32>
      %swap3A_76 = arith.constant 48 : index
      %swap3A_77 = tpu.vector_load %arg8[%swap3A_76] {strides = array<i32>} : memref<112xf32, #tpu.memory_space<vmem>>, vector<16xf32>,
      tpu.vector_store %arg8[%swap3A_76], %add3A_75 {strides = array<i32>} : memref<112xf32, #tpu.memory_space<vmem>>, vector<16xf32>,
      %get3A_78 = arith.constant 64 : index
      %get3A_79 = tpu.vector_load %arg7[%get3A_78] {strides = array<i32>} : memref<240xf32, #tpu.memory_space<vmem>>, vector<16xf32>,
      %exp3A_80 = math.exp %get3A_79 : vector<16xf32>
      %add3A_81 = arith.constant 1.000000e-03 : f32
      %add3A_82 = vector.broadcast %add3A_81 : f32 to vector<16xf32>
      %add3A_83 = arith.addf %exp3A_80, %add3A_82 : vector<16xf32>
      %swap3A_84 = arith.constant 64 : index
      %swap3A_85 = tpu.vector_load %arg8[%swap3A_84] {strides = array<i32>} : memref<112xf32, #tpu.memory_space<vmem>>, vector<16xf32>,
      tpu.vector_store %arg8[%swap3A_84], %add3A_83 {strides = array<i32>} : memref<112xf32, #tpu.memory_space<vmem>>, vector<16xf32>,
      %get3A_86 = arith.constant 80 : index
      %get3A_87 = tpu.vector_load %arg7[%get3A_86] {strides = array<i32>} : memref<240xf32, #tpu.memory_space<vmem>>, vector<16xf32>,
      %exp3A_88 = math.exp %get3A_87 : vector<16xf32>
      %add3A_89 = arith.constant 1.000000e-03 : f32
      %add3A_90 = vector.broadcast %add3A_89 : f32 to vector<16xf32>
      %add3A_91 = arith.addf %exp3A_88, %add3A_90 : vector<16xf32>
      %swap3A_92 = arith.constant 80 : index
      %swap3A_93 = tpu.vector_load %arg8[%swap3A_92] {strides = array<i32>} : memref<112xf32, #tpu.memory_space<vmem>>, vector<16xf32>,
      tpu.vector_store %arg8[%swap3A_92], %add3A_91 {strides = array<i32>} : memref<112xf32, #tpu.memory_space<vmem>>, vector<16xf32>,
      %get3A_94 = arith.constant 96 : index
      %get3A_95 = tpu.vector_load %arg7[%get3A_94] {strides = array<i32>} : memref<240xf32, #tpu.memory_space<vmem>>, vector<16xf32>,
      %exp3A_96 = math.exp %get3A_95 : vector<16xf32>
      %add3A_97 = arith.constant 1.000000e-03 : f32
      %add3A_98 = vector.broadcast %add3A_97 : f32 to vector<16xf32>
      %add3A_99 = arith.addf %exp3A_96, %add3A_98 : vector<16xf32>
      %swap3A_100 = arith.constant 96 : index
      %swap3A_101 = tpu.vector_load %arg8[%swap3A_100] {strides = array<i32>} : memref<112xf32, #tpu.memory_space<vmem>>, vector<16xf32>,
      tpu.vector_store %arg8[%swap3A_100], %add3A_99 {strides = array<i32>} : memref<112xf32, #tpu.memory_space<vmem>>, vector<16xf32>,
      %iota3A = tpu.iota {dimensions = array<i32: 0>} : vector<16xi32>
      %add3A_102 = arith.constant 0 : i32
      %add3A_103 = vector.broadcast %add3A_102 : i32 to vector<16xi32>
      %add3A_104 = arith.addi %iota3A, %add3A_103 : vector<16xi32>
      %ge3A = arith.constant 1 : i32
      %ge3A_105 = vector.broadcast %ge3A : i32 to vector<16xi32>
      %ge3A_106 = arith.cmpi sge, %add3A_104, %ge3A_105 : vector<16xi32>
      %le3A = arith.constant 99 : i32
      %le3A_107 = vector.broadcast %le3A : i32 to vector<16xi32>
      %le3A_108 = arith.cmpi sle, %add3A_104, %le3A_107 : vector<16xi32>
      %and3A = arith.andi %ge3A_106, %le3A_108 : vector<16xi1>
      %get3A_109 = arith.constant 0 : index
      %get3A_110 = tpu.vector_load %arg8[%get3A_109] {strides = array<i32>} : memref<112xf32, #tpu.memory_space<vmem>>, vector<16xf32>,
      %mul3A_111 = arith.constant 0.101010099 : f32
      %mul3A_112 = vector.broadcast %mul3A_111 : f32 to vector<16xf32>
      %mul3A_113 = arith.mulf %get3A_110, %mul3A_112 : vector<16xf32>
      %jit3A = arith.constant 0.000000e+00 : f32
      %broadcast_in_dim3A = vector.broadcast %jit3A : f32 to vector<16xf32>
      %select_n3A = arith.select %and3A, %mul3A_113, %broadcast_in_dim3A : vector<16xi1>, vector<16xf32>
      %broadcast_in_dim3A_114 = arith.constant true
      %broadcast_in_dim3A_115 = vector.broadcast %broadcast_in_dim3A_114 : i1 to vector<16xi1>
      %masked_cumsum3A = tpu.scan <sum>, %select_n3A masked %broadcast_in_dim3A_115 : vector<16xf32>, vector<16xi1> -> vector<16xf32>
      %add3A_116 = vector.broadcast %squeeze3A : f32 to vector<16xf32>
      %add3A_117 = arith.addf %masked_cumsum3A, %add3A_116 : vector<16xf32>
      %swap3A_118 = arith.constant 0 : index
      %swap3A_119 = tpu.vector_load %arg9[%swap3A_118] {strides = array<i32>} : memref<112xf32, #tpu.memory_space<vmem>>, vector<16xf32>,
      tpu.vector_store %arg9[%swap3A_118], %add3A_117 {strides = array<i32>} : memref<112xf32, #tpu.memory_space<vmem>>, vector<16xf32>,
      %reduce_sum3A = arith.constant true
      %reduce_sum3A_120 = vector.broadcast %reduce_sum3A : i1 to vector<16xi1>
      %reduce_sum3A_121 = tpu.scan <sum>, %select_n3A masked %reduce_sum3A_120 : vector<16xf32>, vector<16xi1> -> vector<16xf32>
      %reduce_sum3A_122 = vector.extract %reduce_sum3A_121[15] : f32 from vector<16xf32>
      %add3A_123 = arith.addf %squeeze3A, %reduce_sum3A_122 : f32
      %iota3A_124 = tpu.iota {dimensions = array<i32: 0>} : vector<16xi32>
      %add3A_125 = arith.constant 16 : i32
      %add3A_126 = vector.broadcast %add3A_125 : i32 to vector<16xi32>
      %add3A_127 = arith.addi %iota3A_124, %add3A_126 : vector<16xi32>
      %ge3A_128 = arith.constant 1 : i32
      %ge3A_129 = vector.broadcast %ge3A_128 : i32 to vector<16xi32>
      %ge3A_130 = arith.cmpi sge, %add3A_127, %ge3A_129 : vector<16xi32>
      %le3A_131 = arith.constant 99 : i32
      %le3A_132 = vector.broadcast %le3A_131 : i32 to vector<16xi32>
      %le3A_133 = arith.cmpi sle, %add3A_127, %le3A_132 : vector<16xi32>
      %and3A_134 = arith.andi %ge3A_130, %le3A_133 : vector<16xi1>
      %get3A_135 = arith.constant 16 : index
      %get3A_136 = tpu.vector_load %arg8[%get3A_135] {strides = array<i32>} : memref<112xf32, #tpu.memory_space<vmem>>, vector<16xf32>,
      %mul3A_137 = arith.constant 0.101010099 : f32
      %mul3A_138 = vector.broadcast %mul3A_137 : f32 to vector<16xf32>
      %mul3A_139 = arith.mulf %get3A_136, %mul3A_138 : vector<16xf32>
      %jit3A_140 = arith.constant 0.000000e+00 : f32
      %broadcast_in_dim3A_141 = vector.broadcast %jit3A_140 : f32 to vector<16xf32>
      %select_n3A_142 = arith.select %and3A_134, %mul3A_139, %broadcast_in_dim3A_141 : vector<16xi1>, vector<16xf32>
      %broadcast_in_dim3A_143 = arith.constant true
      %broadcast_in_dim3A_144 = vector.broadcast %broadcast_in_dim3A_143 : i1 to vector<16xi1>
      %masked_cumsum3A_145 = tpu.scan <sum>, %select_n3A_142 masked %broadcast_in_dim3A_144 : vector<16xf32>, vector<16xi1> -> vector<16xf32>
      %add3A_146 = vector.broadcast %add3A_123 : f32 to vector<16xf32>
      %add3A_147 = arith.addf %masked_cumsum3A_145, %add3A_146 : vector<16xf32>
      %swap3A_148 = arith.constant 16 : index
      %swap3A_149 = tpu.vector_load %arg9[%swap3A_148] {strides = array<i32>} : memref<112xf32, #tpu.memory_space<vmem>>, vector<16xf32>,
      tpu.vector_store %arg9[%swap3A_148], %add3A_147 {strides = array<i32>} : memref<112xf32, #tpu.memory_space<vmem>>, vector<16xf32>,
      %reduce_sum3A_150 = arith.constant true
      %reduce_sum3A_151 = vector.broadcast %reduce_sum3A_150 : i1 to vector<16xi1>
      %reduce_sum3A_152 = tpu.scan <sum>, %select_n3A_142 masked %reduce_sum3A_151 : vector<16xf32>, vector<16xi1> -> vector<16xf32>
      %reduce_sum3A_153 = vector.extract %reduce_sum3A_152[15] : f32 from vector<16xf32>
      %add3A_154 = arith.addf %add3A_123, %reduce_sum3A_153 : f32
      %iota3A_155 = tpu.iota {dimensions = array<i32: 0>} : vector<16xi32>
      %add3A_156 = arith.constant 32 : i32
      %add3A_157 = vector.broadcast %add3A_156 : i32 to vector<16xi32>
      %add3A_158 = arith.addi %iota3A_155, %add3A_157 : vector<16xi32>
      %ge3A_159 = arith.constant 1 : i32
      %ge3A_160 = vector.broadcast %ge3A_159 : i32 to vector<16xi32>
      %ge3A_161 = arith.cmpi sge, %add3A_158, %ge3A_160 : vector<16xi32>
      %le3A_162 = arith.constant 99 : i32
      %le3A_163 = vector.broadcast %le3A_162 : i32 to vector<16xi32>
      %le3A_164 = arith.cmpi sle, %add3A_158, %le3A_163 : vector<16xi32>
      %and3A_165 = arith.andi %ge3A_161, %le3A_164 : vector<16xi1>
      %get3A_166 = arith.constant 32 : index
      %get3A_167 = tpu.vector_load %arg8[%get3A_166] {strides = array<i32>} : memref<112xf32, #tpu.memory_space<vmem>>, vector<16xf32>,
      %mul3A_168 = arith.constant 0.101010099 : f32
      %mul3A_169 = vector.broadcast %mul3A_168 : f32 to vector<16xf32>
      %mul3A_170 = arith.mulf %get3A_167, %mul3A_169 : vector<16xf32>
      %jit3A_171 = arith.constant 0.000000e+00 : f32
      %broadcast_in_dim3A_172 = vector.broadcast %jit3A_171 : f32 to vector<16xf32>
      %select_n3A_173 = arith.select %and3A_165, %mul3A_170, %broadcast_in_dim3A_172 : vector<16xi1>, vector<16xf32>
      %broadcast_in_dim3A_174 = arith.constant true
      %broadcast_in_dim3A_175 = vector.broadcast %broadcast_in_dim3A_174 : i1 to vector<16xi1>
      %masked_cumsum3A_176 = tpu.scan <sum>, %select_n3A_173 masked %broadcast_in_dim3A_175 : vector<16xf32>, vector<16xi1> -> vector<16xf32>
      %add3A_177 = vector.broadcast %add3A_154 : f32 to vector<16xf32>
      %add3A_178 = arith.addf %masked_cumsum3A_176, %add3A_177 : vector<16xf32>
      %swap3A_179 = arith.constant 32 : index
      %swap3A_180 = tpu.vector_load %arg9[%swap3A_179] {strides = array<i32>} : memref<112xf32, #tpu.memory_space<vmem>>, vector<16xf32>,
      tpu.vector_store %arg9[%swap3A_179], %add3A_178 {strides = array<i32>} : memref<112xf32, #tpu.memory_space<vmem>>, vector<16xf32>,
      %reduce_sum3A_181 = arith.constant true
      %reduce_sum3A_182 = vector.broadcast %reduce_sum3A_181 : i1 to vector<16xi1>
      %reduce_sum3A_183 = tpu.scan <sum>, %select_n3A_173 masked %reduce_sum3A_182 : vector<16xf32>, vector<16xi1> -> vector<16xf32>
      %reduce_sum3A_184 = vector.extract %reduce_sum3A_183[15] : f32 from vector<16xf32>
      %add3A_185 = arith.addf %add3A_154, %reduce_sum3A_184 : f32
      %iota3A_186 = tpu.iota {dimensions = array<i32: 0>} : vector<16xi32>
      %add3A_187 = arith.constant 48 : i32
      %add3A_188 = vector.broadcast %add3A_187 : i32 to vector<16xi32>
      %add3A_189 = arith.addi %iota3A_186, %add3A_188 : vector<16xi32>
      %ge3A_190 = arith.constant 1 : i32
      %ge3A_191 = vector.broadcast %ge3A_190 : i32 to vector<16xi32>
      %ge3A_192 = arith.cmpi sge, %add3A_189, %ge3A_191 : vector<16xi32>
      %le3A_193 = arith.constant 99 : i32
      %le3A_194 = vector.broadcast %le3A_193 : i32 to vector<16xi32>
      %le3A_195 = arith.cmpi sle, %add3A_189, %le3A_194 : vector<16xi32>
      %and3A_196 = arith.andi %ge3A_192, %le3A_195 : vector<16xi1>
      %get3A_197 = arith.constant 48 : index
      %get3A_198 = tpu.vector_load %arg8[%get3A_197] {strides = array<i32>} : memref<112xf32, #tpu.memory_space<vmem>>, vector<16xf32>,
      %mul3A_199 = arith.constant 0.101010099 : f32
      %mul3A_200 = vector.broadcast %mul3A_199 : f32 to vector<16xf32>
      %mul3A_201 = arith.mulf %get3A_198, %mul3A_200 : vector<16xf32>
      %jit3A_202 = arith.constant 0.000000e+00 : f32
      %broadcast_in_dim3A_203 = vector.broadcast %jit3A_202 : f32 to vector<16xf32>
      %select_n3A_204 = arith.select %and3A_196, %mul3A_201, %broadcast_in_dim3A_203 : vector<16xi1>, vector<16xf32>
      %broadcast_in_dim3A_205 = arith.constant true
      %broadcast_in_dim3A_206 = vector.broadcast %broadcast_in_dim3A_205 : i1 to vector<16xi1>
      %masked_cumsum3A_207 = tpu.scan <sum>, %select_n3A_204 masked %broadcast_in_dim3A_206 : vector<16xf32>, vector<16xi1> -> vector<16xf32>
      %add3A_208 = vector.broadcast %add3A_185 : f32 to vector<16xf32>
      %add3A_209 = arith.addf %masked_cumsum3A_207, %add3A_208 : vector<16xf32>
      %swap3A_210 = arith.constant 48 : index
      %swap3A_211 = tpu.vector_load %arg9[%swap3A_210] {strides = array<i32>} : memref<112xf32, #tpu.memory_space<vmem>>, vector<16xf32>,
      tpu.vector_store %arg9[%swap3A_210], %add3A_209 {strides = array<i32>} : memref<112xf32, #tpu.memory_space<vmem>>, vector<16xf32>,
      %reduce_sum3A_212 = arith.constant true
      %reduce_sum3A_213 = vector.broadcast %reduce_sum3A_212 : i1 to vector<16xi1>
      %reduce_sum3A_214 = tpu.scan <sum>, %select_n3A_204 masked %reduce_sum3A_213 : vector<16xf32>, vector<16xi1> -> vector<16xf32>
      %reduce_sum3A_215 = vector.extract %reduce_sum3A_214[15] : f32 from vector<16xf32>
      %add3A_216 = arith.addf %add3A_185, %reduce_sum3A_215 : f32
      %iota3A_217 = tpu.iota {dimensions = array<i32: 0>} : vector<16xi32>
      %add3A_218 = arith.constant 64 : i32
      %add3A_219 = vector.broadcast %add3A_218 : i32 to vector<16xi32>
      %add3A_220 = arith.addi %iota3A_217, %add3A_219 : vector<16xi32>
      %ge3A_221 = arith.constant 1 : i32
      %ge3A_222 = vector.broadcast %ge3A_221 : i32 to vector<16xi32>
      %ge3A_223 = arith.cmpi sge, %add3A_220, %ge3A_222 : vector<16xi32>
      %le3A_224 = arith.constant 99 : i32
      %le3A_225 = vector.broadcast %le3A_224 : i32 to vector<16xi32>
      %le3A_226 = arith.cmpi sle, %add3A_220, %le3A_225 : vector<16xi32>
      %and3A_227 = arith.andi %ge3A_223, %le3A_226 : vector<16xi1>
      %get3A_228 = arith.constant 64 : index
      %get3A_229 = tpu.vector_load %arg8[%get3A_228] {strides = array<i32>} : memref<112xf32, #tpu.memory_space<vmem>>, vector<16xf32>,
      %mul3A_230 = arith.constant 0.101010099 : f32
      %mul3A_231 = vector.broadcast %mul3A_230 : f32 to vector<16xf32>
      %mul3A_232 = arith.mulf %get3A_229, %mul3A_231 : vector<16xf32>
      %jit3A_233 = arith.constant 0.000000e+00 : f32
      %broadcast_in_dim3A_234 = vector.broadcast %jit3A_233 : f32 to vector<16xf32>
      %select_n3A_235 = arith.select %and3A_227, %mul3A_232, %broadcast_in_dim3A_234 : vector<16xi1>, vector<16xf32>
      %broadcast_in_dim3A_236 = arith.constant true
      %broadcast_in_dim3A_237 = vector.broadcast %broadcast_in_dim3A_236 : i1 to vector<16xi1>
      %masked_cumsum3A_238 = tpu.scan <sum>, %select_n3A_235 masked %broadcast_in_dim3A_237 : vector<16xf32>, vector<16xi1> -> vector<16xf32>
      %add3A_239 = vector.broadcast %add3A_216 : f32 to vector<16xf32>
      %add3A_240 = arith.addf %masked_cumsum3A_238, %add3A_239 : vector<16xf32>
      %swap3A_241 = arith.constant 64 : index
      %swap3A_242 = tpu.vector_load %arg9[%swap3A_241] {strides = array<i32>} : memref<112xf32, #tpu.memory_space<vmem>>, vector<16xf32>,
      tpu.vector_store %arg9[%swap3A_241], %add3A_240 {strides = array<i32>} : memref<112xf32, #tpu.memory_space<vmem>>, vector<16xf32>,
      %reduce_sum3A_243 = arith.constant true
      %reduce_sum3A_244 = vector.broadcast %reduce_sum3A_243 : i1 to vector<16xi1>
      %reduce_sum3A_245 = tpu.scan <sum>, %select_n3A_235 masked %reduce_sum3A_244 : vector<16xf32>, vector<16xi1> -> vector<16xf32>
      %reduce_sum3A_246 = vector.extract %reduce_sum3A_245[15] : f32 from vector<16xf32>
      %add3A_247 = arith.addf %add3A_216, %reduce_sum3A_246 : f32
      %iota3A_248 = tpu.iota {dimensions = array<i32: 0>} : vector<16xi32>
      %add3A_249 = arith.constant 80 : i32
      %add3A_250 = vector.broadcast %add3A_249 : i32 to vector<16xi32>
      %add3A_251 = arith.addi %iota3A_248, %add3A_250 : vector<16xi32>
      %ge3A_252 = arith.constant 1 : i32
      %ge3A_253 = vector.broadcast %ge3A_252 : i32 to vector<16xi32>
      %ge3A_254 = arith.cmpi sge, %add3A_251, %ge3A_253 : vector<16xi32>
      %le3A_255 = arith.constant 99 : i32
      %le3A_256 = vector.broadcast %le3A_255 : i32 to vector<16xi32>
      %le3A_257 = arith.cmpi sle, %add3A_251, %le3A_256 : vector<16xi32>
      %and3A_258 = arith.andi %ge3A_254, %le3A_257 : vector<16xi1>
      %get3A_259 = arith.constant 80 : index
      %get3A_260 = tpu.vector_load %arg8[%get3A_259] {strides = array<i32>} : memref<112xf32, #tpu.memory_space<vmem>>, vector<16xf32>,
      %mul3A_261 = arith.constant 0.101010099 : f32
      %mul3A_262 = vector.broadcast %mul3A_261 : f32 to vector<16xf32>
      %mul3A_263 = arith.mulf %get3A_260, %mul3A_262 : vector<16xf32>
      %jit3A_264 = arith.constant 0.000000e+00 : f32
      %broadcast_in_dim3A_265 = vector.broadcast %jit3A_264 : f32 to vector<16xf32>
      %select_n3A_266 = arith.select %and3A_258, %mul3A_263, %broadcast_in_dim3A_265 : vector<16xi1>, vector<16xf32>
      %broadcast_in_dim3A_267 = arith.constant true
      %broadcast_in_dim3A_268 = vector.broadcast %broadcast_in_dim3A_267 : i1 to vector<16xi1>
      %masked_cumsum3A_269 = tpu.scan <sum>, %select_n3A_266 masked %broadcast_in_dim3A_268 : vector<16xf32>, vector<16xi1> -> vector<16xf32>
      %add3A_270 = vector.broadcast %add3A_247 : f32 to vector<16xf32>
      %add3A_271 = arith.addf %masked_cumsum3A_269, %add3A_270 : vector<16xf32>
      %swap3A_272 = arith.constant 80 : index
      %swap3A_273 = tpu.vector_load %arg9[%swap3A_272] {strides = array<i32>} : memref<112xf32, #tpu.memory_space<vmem>>, vector<16xf32>,
      tpu.vector_store %arg9[%swap3A_272], %add3A_271 {strides = array<i32>} : memref<112xf32, #tpu.memory_space<vmem>>, vector<16xf32>,
      %reduce_sum3A_274 = arith.constant true
      %reduce_sum3A_275 = vector.broadcast %reduce_sum3A_274 : i1 to vector<16xi1>
      %reduce_sum3A_276 = tpu.scan <sum>, %select_n3A_266 masked %reduce_sum3A_275 : vector<16xf32>, vector<16xi1> -> vector<16xf32>
      %reduce_sum3A_277 = vector.extract %reduce_sum3A_276[15] : f32 from vector<16xf32>
      %add3A_278 = arith.addf %add3A_247, %reduce_sum3A_277 : f32
      %iota3A_279 = tpu.iota {dimensions = array<i32: 0>} : vector<16xi32>
      %add3A_280 = arith.constant 96 : i32
      %add3A_281 = vector.broadcast %add3A_280 : i32 to vector<16xi32>
      %add3A_282 = arith.addi %iota3A_279, %add3A_281 : vector<16xi32>
      %ge3A_283 = arith.constant 1 : i32
      %ge3A_284 = vector.broadcast %ge3A_283 : i32 to vector<16xi32>
      %ge3A_285 = arith.cmpi sge, %add3A_282, %ge3A_284 : vector<16xi32>
      %le3A_286 = arith.constant 99 : i32
      %le3A_287 = vector.broadcast %le3A_286 : i32 to vector<16xi32>
      %le3A_288 = arith.cmpi sle, %add3A_282, %le3A_287 : vector<16xi32>
      %and3A_289 = arith.andi %ge3A_285, %le3A_288 : vector<16xi1>
      %get3A_290 = arith.constant 96 : index
      %get3A_291 = tpu.vector_load %arg8[%get3A_290] {strides = array<i32>} : memref<112xf32, #tpu.memory_space<vmem>>, vector<16xf32>,
      %mul3A_292 = arith.constant 0.101010099 : f32
      %mul3A_293 = vector.broadcast %mul3A_292 : f32 to vector<16xf32>
      %mul3A_294 = arith.mulf %get3A_291, %mul3A_293 : vector<16xf32>
      %jit3A_295 = arith.constant 0.000000e+00 : f32
      %broadcast_in_dim3A_296 = vector.broadcast %jit3A_295 : f32 to vector<16xf32>
      %select_n3A_297 = arith.select %and3A_289, %mul3A_294, %broadcast_in_dim3A_296 : vector<16xi1>, vector<16xf32>
      %broadcast_in_dim3A_298 = arith.constant true
      %broadcast_in_dim3A_299 = vector.broadcast %broadcast_in_dim3A_298 : i1 to vector<16xi1>
      %masked_cumsum3A_300 = tpu.scan <sum>, %select_n3A_297 masked %broadcast_in_dim3A_299 : vector<16xf32>, vector<16xi1> -> vector<16xf32>
      %add3A_301 = vector.broadcast %add3A_278 : f32 to vector<16xf32>
      %add3A_302 = arith.addf %masked_cumsum3A_300, %add3A_301 : vector<16xf32>
      %swap3A_303 = arith.constant 96 : index
      %swap3A_304 = tpu.vector_load %arg9[%swap3A_303] {strides = array<i32>} : memref<112xf32, #tpu.memory_space<vmem>>, vector<16xf32>,
      tpu.vector_store %arg9[%swap3A_303], %add3A_302 {strides = array<i32>} : memref<112xf32, #tpu.memory_space<vmem>>, vector<16xf32>,
      %reduce_sum3A_305 = arith.constant true
      %reduce_sum3A_306 = vector.broadcast %reduce_sum3A_305 : i1 to vector<16xi1>
      %reduce_sum3A_307 = tpu.scan <sum>, %select_n3A_297 masked %reduce_sum3A_306 : vector<16xf32>, vector<16xi1> -> vector<16xf32>
      %reduce_sum3A_308 = vector.extract %reduce_sum3A_307[15] : f32 from vector<16xf32>
      %add3A_309 = arith.addf %add3A_278, %reduce_sum3A_308 : f32
      %iota3A_310 = tpu.iota {dimensions = array<i32: 0>} : vector<16xi32>
      %add3A_311 = arith.constant 0 : i32
      %add3A_312 = vector.broadcast %add3A_311 : i32 to vector<16xi32>
      %add3A_313 = arith.addi %iota3A_310, %add3A_312 : vector<16xi32>
      %sub3A = arith.constant 1 : i32
      %sub3A_314 = vector.broadcast %sub3A : i32 to vector<16xi32>
      %sub3A_315 = arith.subi %add3A_313, %sub3A_314 : vector<16xi32>
      %jit3A_316 = arith.constant 0 : i32
      %jit3A_317 = arith.constant 99 : i32
      %max3A = vector.broadcast %jit3A_316 : i32 to vector<16xi32>
      %max3A_318 = arith.maxsi %max3A, %sub3A_315 : vector<16xi32>
      %min3A = vector.broadcast %jit3A_317 : i32 to vector<16xi32>
      %min3A_319 = arith.minsi %min3A, %max3A_318 : vector<16xi32>
      %gather3A = tpu.vector_load_idx %arg9[%min3A_319] : memref<112xf32, #tpu.memory_space<vmem>>[vector<16xi32>], vector<16xf32>,
      %add3A_320 = arith.constant 112 : i32
      %add3A_321 = vector.broadcast %add3A_320 : i32 to vector<16xi32>
      %add3A_322 = arith.addi %min3A_319, %add3A_321 : vector<16xi32>
      %gather3A_323 = tpu.vector_load_idx %arg7[%add3A_322] : memref<240xf32, #tpu.memory_space<vmem>>[vector<16xi32>], vector<16xf32>,
      %get3A_324 = arith.constant 0 : index
      %get3A_325 = tpu.vector_load %arg8[%get3A_324] {strides = array<i32>} : memref<112xf32, #tpu.memory_space<vmem>>, vector<16xf32>,
      %mul3A_326 = arith.mulf %gather3A_323, %get3A_325 : vector<16xf32>
      %sub3A_327 = arith.subf %gather3A, %mul3A_326 : vector<16xf32>
      %swap3A_328 = arith.constant 0 : index
      %swap3A_329 = tpu.vector_load %arg10[%swap3A_328] {strides = array<i32>} : memref<112xf32, #tpu.memory_space<vmem>>, vector<16xf32>,
      tpu.vector_store %arg10[%swap3A_328], %sub3A_327 {strides = array<i32>} : memref<112xf32, #tpu.memory_space<vmem>>, vector<16xf32>,
      %iota3A_330 = tpu.iota {dimensions = array<i32: 0>} : vector<16xi32>
      %add3A_331 = arith.constant 16 : i32
      %add3A_332 = vector.broadcast %add3A_331 : i32 to vector<16xi32>
      %add3A_333 = arith.addi %iota3A_330, %add3A_332 : vector<16xi32>
      %sub3A_334 = arith.constant 1 : i32
      %sub3A_335 = vector.broadcast %sub3A_334 : i32 to vector<16xi32>
      %sub3A_336 = arith.subi %add3A_333, %sub3A_335 : vector<16xi32>
      %jit3A_337 = arith.constant 0 : i32
      %jit3A_338 = arith.constant 99 : i32
      %max3A_339 = vector.broadcast %jit3A_337 : i32 to vector<16xi32>
      %max3A_340 = arith.maxsi %max3A_339, %sub3A_336 : vector<16xi32>
      %min3A_341 = vector.broadcast %jit3A_338 : i32 to vector<16xi32>
      %min3A_342 = arith.minsi %min3A_341, %max3A_340 : vector<16xi32>
      %gather3A_343 = tpu.vector_load_idx %arg9[%min3A_342] : memref<112xf32, #tpu.memory_space<vmem>>[vector<16xi32>], vector<16xf32>,
      %add3A_344 = arith.constant 112 : i32
      %add3A_345 = vector.broadcast %add3A_344 : i32 to vector<16xi32>
      %add3A_346 = arith.addi %min3A_342, %add3A_345 : vector<16xi32>
      %gather3A_347 = tpu.vector_load_idx %arg7[%add3A_346] : memref<240xf32, #tpu.memory_space<vmem>>[vector<16xi32>], vector<16xf32>,
      %get3A_348 = arith.constant 16 : index
      %get3A_349 = tpu.vector_load %arg8[%get3A_348] {strides = array<i32>} : memref<112xf32, #tpu.memory_space<vmem>>, vector<16xf32>,
      %mul3A_350 = arith.mulf %gather3A_347, %get3A_349 : vector<16xf32>
      %sub3A_351 = arith.subf %gather3A_343, %mul3A_350 : vector<16xf32>
      %swap3A_352 = arith.constant 16 : index
      %swap3A_353 = tpu.vector_load %arg10[%swap3A_352] {strides = array<i32>} : memref<112xf32, #tpu.memory_space<vmem>>, vector<16xf32>,
      tpu.vector_store %arg10[%swap3A_352], %sub3A_351 {strides = array<i32>} : memref<112xf32, #tpu.memory_space<vmem>>, vector<16xf32>,
      %iota3A_354 = tpu.iota {dimensions = array<i32: 0>} : vector<16xi32>
      %add3A_355 = arith.constant 32 : i32
      %add3A_356 = vector.broadcast %add3A_355 : i32 to vector<16xi32>
      %add3A_357 = arith.addi %iota3A_354, %add3A_356 : vector<16xi32>
      %sub3A_358 = arith.constant 1 : i32
      %sub3A_359 = vector.broadcast %sub3A_358 : i32 to vector<16xi32>
      %sub3A_360 = arith.subi %add3A_357, %sub3A_359 : vector<16xi32>
      %jit3A_361 = arith.constant 0 : i32
      %jit3A_362 = arith.constant 99 : i32
      %max3A_363 = vector.broadcast %jit3A_361 : i32 to vector<16xi32>
      %max3A_364 = arith.maxsi %max3A_363, %sub3A_360 : vector<16xi32>
      %min3A_365 = vector.broadcast %jit3A_362 : i32 to vector<16xi32>
      %min3A_366 = arith.minsi %min3A_365, %max3A_364 : vector<16xi32>
      %gather3A_367 = tpu.vector_load_idx %arg9[%min3A_366] : memref<112xf32, #tpu.memory_space<vmem>>[vector<16xi32>], vector<16xf32>,
      %add3A_368 = arith.constant 112 : i32
      %add3A_369 = vector.broadcast %add3A_368 : i32 to vector<16xi32>
      %add3A_370 = arith.addi %min3A_366, %add3A_369 : vector<16xi32>
      %gather3A_371 = tpu.vector_load_idx %arg7[%add3A_370] : memref<240xf32, #tpu.memory_space<vmem>>[vector<16xi32>], vector<16xf32>,
      %get3A_372 = arith.constant 32 : index
      %get3A_373 = tpu.vector_load %arg8[%get3A_372] {strides = array<i32>} : memref<112xf32, #tpu.memory_space<vmem>>, vector<16xf32>,
      %mul3A_374 = arith.mulf %gather3A_371, %get3A_373 : vector<16xf32>
      %sub3A_375 = arith.subf %gather3A_367, %mul3A_374 : vector<16xf32>
      %swap3A_376 = arith.constant 32 : index
      %swap3A_377 = tpu.vector_load %arg10[%swap3A_376] {strides = array<i32>} : memref<112xf32, #tpu.memory_space<vmem>>, vector<16xf32>,
      tpu.vector_store %arg10[%swap3A_376], %sub3A_375 {strides = array<i32>} : memref<112xf32, #tpu.memory_space<vmem>>, vector<16xf32>,
      %iota3A_378 = tpu.iota {dimensions = array<i32: 0>} : vector<16xi32>
      %add3A_379 = arith.constant 48 : i32
      %add3A_380 = vector.broadcast %add3A_379 : i32 to vector<16xi32>
      %add3A_381 = arith.addi %iota3A_378, %add3A_380 : vector<16xi32>
      %sub3A_382 = arith.constant 1 : i32
      %sub3A_383 = vector.broadcast %sub3A_382 : i32 to vector<16xi32>
      %sub3A_384 = arith.subi %add3A_381, %sub3A_383 : vector<16xi32>
      %jit3A_385 = arith.constant 0 : i32
      %jit3A_386 = arith.constant 99 : i32
      %max3A_387 = vector.broadcast %jit3A_385 : i32 to vector<16xi32>
      %max3A_388 = arith.maxsi %max3A_387, %sub3A_384 : vector<16xi32>
      %min3A_389 = vector.broadcast %jit3A_386 : i32 to vector<16xi32>
      %min3A_390 = arith.minsi %min3A_389, %max3A_388 : vector<16xi32>
      %gather3A_391 = tpu.vector_load_idx %arg9[%min3A_390] : memref<112xf32, #tpu.memory_space<vmem>>[vector<16xi32>], vector<16xf32>,
      %add3A_392 = arith.constant 112 : i32
      %add3A_393 = vector.broadcast %add3A_392 : i32 to vector<16xi32>
      %add3A_394 = arith.addi %min3A_390, %add3A_393 : vector<16xi32>
      %gather3A_395 = tpu.vector_load_idx %arg7[%add3A_394] : memref<240xf32, #tpu.memory_space<vmem>>[vector<16xi32>], vector<16xf32>,
      %get3A_396 = arith.constant 48 : index
      %get3A_397 = tpu.vector_load %arg8[%get3A_396] {strides = array<i32>} : memref<112xf32, #tpu.memory_space<vmem>>, vector<16xf32>,
      %mul3A_398 = arith.mulf %gather3A_395, %get3A_397 : vector<16xf32>
      %sub3A_399 = arith.subf %gather3A_391, %mul3A_398 : vector<16xf32>
      %swap3A_400 = arith.constant 48 : index
      %swap3A_401 = tpu.vector_load %arg10[%swap3A_400] {strides = array<i32>} : memref<112xf32, #tpu.memory_space<vmem>>, vector<16xf32>,
      tpu.vector_store %arg10[%swap3A_400], %sub3A_399 {strides = array<i32>} : memref<112xf32, #tpu.memory_space<vmem>>, vector<16xf32>,
      %iota3A_402 = tpu.iota {dimensions = array<i32: 0>} : vector<16xi32>
      %add3A_403 = arith.constant 64 : i32
      %add3A_404 = vector.broadcast %add3A_403 : i32 to vector<16xi32>
      %add3A_405 = arith.addi %iota3A_402, %add3A_404 : vector<16xi32>
      %sub3A_406 = arith.constant 1 : i32
      %sub3A_407 = vector.broadcast %sub3A_406 : i32 to vector<16xi32>
      %sub3A_408 = arith.subi %add3A_405, %sub3A_407 : vector<16xi32>
      %jit3A_409 = arith.constant 0 : i32
      %jit3A_410 = arith.constant 99 : i32
      %max3A_411 = vector.broadcast %jit3A_409 : i32 to vector<16xi32>
      %max3A_412 = arith.maxsi %max3A_411, %sub3A_408 : vector<16xi32>
      %min3A_413 = vector.broadcast %jit3A_410 : i32 to vector<16xi32>
      %min3A_414 = arith.minsi %min3A_413, %max3A_412 : vector<16xi32>
      %gather3A_415 = tpu.vector_load_idx %arg9[%min3A_414] : memref<112xf32, #tpu.memory_space<vmem>>[vector<16xi32>], vector<16xf32>,
      %add3A_416 = arith.constant 112 : i32
      %add3A_417 = vector.broadcast %add3A_416 : i32 to vector<16xi32>
      %add3A_418 = arith.addi %min3A_414, %add3A_417 : vector<16xi32>
      %gather3A_419 = tpu.vector_load_idx %arg7[%add3A_418] : memref<240xf32, #tpu.memory_space<vmem>>[vector<16xi32>], vector<16xf32>,
      %get3A_420 = arith.constant 64 : index
      %get3A_421 = tpu.vector_load %arg8[%get3A_420] {strides = array<i32>} : memref<112xf32, #tpu.memory_space<vmem>>, vector<16xf32>,
      %mul3A_422 = arith.mulf %gather3A_419, %get3A_421 : vector<16xf32>
      %sub3A_423 = arith.subf %gather3A_415, %mul3A_422 : vector<16xf32>
      %swap3A_424 = arith.constant 64 : index
      %swap3A_425 = tpu.vector_load %arg10[%swap3A_424] {strides = array<i32>} : memref<112xf32, #tpu.memory_space<vmem>>, vector<16xf32>,
      tpu.vector_store %arg10[%swap3A_424], %sub3A_423 {strides = array<i32>} : memref<112xf32, #tpu.memory_space<vmem>>, vector<16xf32>,
      %iota3A_426 = tpu.iota {dimensions = array<i32: 0>} : vector<16xi32>
      %add3A_427 = arith.constant 80 : i32
      %add3A_428 = vector.broadcast %add3A_427 : i32 to vector<16xi32>
      %add3A_429 = arith.addi %iota3A_426, %add3A_428 : vector<16xi32>
      %sub3A_430 = arith.constant 1 : i32
      %sub3A_431 = vector.broadcast %sub3A_430 : i32 to vector<16xi32>
      %sub3A_432 = arith.subi %add3A_429, %sub3A_431 : vector<16xi32>
      %jit3A_433 = arith.constant 0 : i32
      %jit3A_434 = arith.constant 99 : i32
      %max3A_435 = vector.broadcast %jit3A_433 : i32 to vector<16xi32>
      %max3A_436 = arith.maxsi %max3A_435, %sub3A_432 : vector<16xi32>
      %min3A_437 = vector.broadcast %jit3A_434 : i32 to vector<16xi32>
      %min3A_438 = arith.minsi %min3A_437, %max3A_436 : vector<16xi32>
      %gather3A_439 = tpu.vector_load_idx %arg9[%min3A_438] : memref<112xf32, #tpu.memory_space<vmem>>[vector<16xi32>], vector<16xf32>,
      %add3A_440 = arith.constant 112 : i32
      %add3A_441 = vector.broadcast %add3A_440 : i32 to vector<16xi32>
      %add3A_442 = arith.addi %min3A_438, %add3A_441 : vector<16xi32>
      %gather3A_443 = tpu.vector_load_idx %arg7[%add3A_442] : memref<240xf32, #tpu.memory_space<vmem>>[vector<16xi32>], vector<16xf32>,
      %get3A_444 = arith.constant 80 : index
      %get3A_445 = tpu.vector_load %arg8[%get3A_444] {strides = array<i32>} : memref<112xf32, #tpu.memory_space<vmem>>, vector<16xf32>,
      %mul3A_446 = arith.mulf %gather3A_443, %get3A_445 : vector<16xf32>
      %sub3A_447 = arith.subf %gather3A_439, %mul3A_446 : vector<16xf32>
      %swap3A_448 = arith.constant 80 : index
      %swap3A_449 = tpu.vector_load %arg10[%swap3A_448] {strides = array<i32>} : memref<112xf32, #tpu.memory_space<vmem>>, vector<16xf32>,
      tpu.vector_store %arg10[%swap3A_448], %sub3A_447 {strides = array<i32>} : memref<112xf32, #tpu.memory_space<vmem>>, vector<16xf32>,
      %iota3A_450 = tpu.iota {dimensions = array<i32: 0>} : vector<16xi32>
      %add3A_451 = arith.constant 96 : i32
      %add3A_452 = vector.broadcast %add3A_451 : i32 to vector<16xi32>
      %add3A_453 = arith.addi %iota3A_450, %add3A_452 : vector<16xi32>
      %sub3A_454 = arith.constant 1 : i32
      %sub3A_455 = vector.broadcast %sub3A_454 : i32 to vector<16xi32>
      %sub3A_456 = arith.subi %add3A_453, %sub3A_455 : vector<16xi32>
      %jit3A_457 = arith.constant 0 : i32
      %jit3A_458 = arith.constant 99 : i32
      %max3A_459 = vector.broadcast %jit3A_457 : i32 to vector<16xi32>
      %max3A_460 = arith.maxsi %max3A_459, %sub3A_456 : vector<16xi32>
      %min3A_461 = vector.broadcast %jit3A_458 : i32 to vector<16xi32>
      %min3A_462 = arith.minsi %min3A_461, %max3A_460 : vector<16xi32>
      %gather3A_463 = tpu.vector_load_idx %arg9[%min3A_462] : memref<112xf32, #tpu.memory_space<vmem>>[vector<16xi32>], vector<16xf32>,
      %add3A_464 = arith.constant 112 : i32
      %add3A_465 = vector.broadcast %add3A_464 : i32 to vector<16xi32>
      %add3A_466 = arith.addi %min3A_462, %add3A_465 : vector<16xi32>
      %gather3A_467 = tpu.vector_load_idx %arg7[%add3A_466] : memref<240xf32, #tpu.memory_space<vmem>>[vector<16xi32>], vector<16xf32>,
      %get3A_468 = arith.constant 96 : index
      %get3A_469 = tpu.vector_load %arg8[%get3A_468] {strides = array<i32>} : memref<112xf32, #tpu.memory_space<vmem>>, vector<16xf32>,
      %mul3A_470 = arith.mulf %gather3A_467, %get3A_469 : vector<16xf32>
      %sub3A_471 = arith.subf %gather3A_463, %mul3A_470 : vector<16xf32>
      %swap3A_472 = arith.constant 96 : index
      %swap3A_473 = tpu.vector_load %arg10[%swap3A_472] {strides = array<i32>} : memref<112xf32, #tpu.memory_space<vmem>>, vector<16xf32>,
      tpu.vector_store %arg10[%swap3A_472], %sub3A_471 {strides = array<i32>} : memref<112xf32, #tpu.memory_space<vmem>>, vector<16xf32>,
      %dma_wait3A_474 = arith.constant 0 : i32
      %dma_wait3A_475 = tpu.memref_slice %arg11[%dma_wait3A_474] : memref<15632xf32, #tpu.memory_space<vmem>> -> memref<7680xf32, #tpu.memory_space<vmem>>
      %dma_wait3A_476 = arith.constant 484592 : i32
      %dma_wait3A_477 = tpu.memref_slice %arg5[%dma_wait3A_476] : memref<500000xf32, #tpu.memory_space<hbm>> -> memref<7680xf32, #tpu.memory_space<hbm>>
      %dma_wait3A_478 = arith.constant 0 : i32
      %dma_wait3A_479 = tpu.memref_slice %arg11[%dma_wait3A_478] : memref<15632xf32, #tpu.memory_space<vmem>> -> memref<7680xf32, #tpu.memory_space<vmem>>
      %dma_wait3A_480 = arith.constant 484592 : i32
      %dma_wait3A_481 = tpu.memref_slice %arg5[%dma_wait3A_480] : memref<500000xf32, #tpu.memory_space<hbm>> -> memref<7680xf32, #tpu.memory_space<hbm>>
      tpu.wait_dma2 semaphore(%arg14 : memref<!tpu.dma_semaphore, #tpu.memory_space<semaphore_mem>>) src(%dma_wait3A_481 : memref<7680xf32, #tpu.memory_space<hbm>>) dst(%dma_wait3A_479 : memref<7680xf32, #tpu.memory_space<vmem>>)
      %scan3A = arith.constant 0 : i32
      %scan3A_482 = arith.constant 120 : i32
      %scan3A_483 = arith.addi %scan3A, %scan3A_482 : i32
      %scan3A_484 = arith.constant 1 : i32
      scf.for %scan3A_536 = %scan3A to %scan3A_483 step %scan3A_484  : i32 {
        %mul3A_537 = arith.constant 64 : i32
        %mul3A_538 = arith.muli %scan3A_536, %mul3A_537 : i32
        %add3A_539 = arith.constant 0 : i32
        %add3A_540 = arith.addi %add3A_539, %mul3A_538 : i32
        %add3A_541 = arith.constant 0 : i32
        %add3A_542 = arith.addi %add3A_540, %add3A_541 : i32
        %get3A_543 = arith.index_cast %add3A_542 : i32 to index
        %get3A_544 = tpu.vector_load %arg11[%get3A_543] {strides = array<i32>} : memref<15632xf32, #tpu.memory_space<vmem>>, vector<16xf32>,
        %mul3A_545 = arith.constant 9.89999961 : f32
        %mul3A_546 = vector.broadcast %mul3A_545 : f32 to vector<16xf32>
        %mul3A_547 = arith.mulf %get3A_544, %mul3A_546 : vector<16xf32>
        %add3A_548 = arith.constant 5.050000e+01 : f32
        %add3A_549 = vector.broadcast %add3A_548 : f32 to vector<16xf32>
        %add3A_550 = arith.addf %mul3A_547, %add3A_549 : vector<16xf32>
        %jit3A_551 = arith.constant 0.000000e+00 : f32
        %jit3A_552 = arith.constant 1.000000e+02 : f32
        %max3A_553 = vector.broadcast %jit3A_551 : f32 to vector<16xf32>
        %max3A_554 = arith.maximumf %max3A_553, %add3A_550 : vector<16xf32>
        %min3A_555 = vector.broadcast %jit3A_552 : f32 to vector<16xf32>
        %min3A_556 = arith.minimumf %min3A_555, %max3A_554 : vector<16xf32>
        %convert_element_type3A_557 = arith.fptosi %min3A_556 : vector<16xf32> to vector<16xi32>
        %gather3A_558 = tpu.vector_load_idx %arg8[%convert_element_type3A_557] : memref<112xf32, #tpu.memory_space<vmem>>[vector<16xi32>], vector<16xf32>,
        %gather3A_559 = tpu.vector_load_idx %arg10[%convert_element_type3A_557] : memref<112xf32, #tpu.memory_space<vmem>>[vector<16xi32>], vector<16xf32>,
        %mul3A_560 = arith.mulf %get3A_544, %gather3A_558 : vector<16xf32>
        %add3A_561 = arith.addf %mul3A_560, %gather3A_559 : vector<16xf32>
        %swap3A_562 = arith.index_cast %add3A_542 : i32 to index
        %swap3A_563 = tpu.vector_load %arg12[%swap3A_562] {strides = array<i32>} : memref<15632xf32, #tpu.memory_space<vmem>>, vector<16xf32>,
        tpu.vector_store %arg12[%swap3A_562], %add3A_561 {strides = array<i32>} : memref<15632xf32, #tpu.memory_space<vmem>>, vector<16xf32>,
        %add3A_564 = arith.constant 16 : i32
        %add3A_565 = arith.addi %add3A_540, %add3A_564 : i32
        %get3A_566 = arith.index_cast %add3A_565 : i32 to index
        %get3A_567 = tpu.vector_load %arg11[%get3A_566] {strides = array<i32>} : memref<15632xf32, #tpu.memory_space<vmem>>, vector<16xf32>,
        %mul3A_568 = arith.constant 9.89999961 : f32
        %mul3A_569 = vector.broadcast %mul3A_568 : f32 to vector<16xf32>
        %mul3A_570 = arith.mulf %get3A_567, %mul3A_569 : vector<16xf32>
        %add3A_571 = arith.constant 5.050000e+01 : f32
        %add3A_572 = vector.broadcast %add3A_571 : f32 to vector<16xf32>
        %add3A_573 = arith.addf %mul3A_570, %add3A_572 : vector<16xf32>
        %jit3A_574 = arith.constant 0.000000e+00 : f32
        %jit3A_575 = arith.constant 1.000000e+02 : f32
        %max3A_576 = vector.broadcast %jit3A_574 : f32 to vector<16xf32>
        %max3A_577 = arith.maximumf %max3A_576, %add3A_573 : vector<16xf32>
        %min3A_578 = vector.broadcast %jit3A_575 : f32 to vector<16xf32>
        %min3A_579 = arith.minimumf %min3A_578, %max3A_577 : vector<16xf32>
        %convert_element_type3A_580 = arith.fptosi %min3A_579 : vector<16xf32> to vector<16xi32>
        %gather3A_581 = tpu.vector_load_idx %arg8[%convert_element_type3A_580] : memref<112xf32, #tpu.memory_space<vmem>>[vector<16xi32>], vector<16xf32>,
        %gather3A_582 = tpu.vector_load_idx %arg10[%convert_element_type3A_580] : memref<112xf32, #tpu.memory_space<vmem>>[vector<16xi32>], vector<16xf32>,
        %mul3A_583 = arith.mulf %get3A_567, %gather3A_581 : vector<16xf32>
        %add3A_584 = arith.addf %mul3A_583, %gather3A_582 : vector<16xf32>
        %swap3A_585 = arith.index_cast %add3A_565 : i32 to index
        %swap3A_586 = tpu.vector_load %arg12[%swap3A_585] {strides = array<i32>} : memref<15632xf32, #tpu.memory_space<vmem>>, vector<16xf32>,
        tpu.vector_store %arg12[%swap3A_585], %add3A_584 {strides = array<i32>} : memref<15632xf32, #tpu.memory_space<vmem>>, vector<16xf32>,
        %add3A_587 = arith.constant 32 : i32
        %add3A_588 = arith.addi %add3A_540, %add3A_587 : i32
        %get3A_589 = arith.index_cast %add3A_588 : i32 to index
        %get3A_590 = tpu.vector_load %arg11[%get3A_589] {strides = array<i32>} : memref<15632xf32, #tpu.memory_space<vmem>>, vector<16xf32>,
        %mul3A_591 = arith.constant 9.89999961 : f32
        %mul3A_592 = vector.broadcast %mul3A_591 : f32 to vector<16xf32>
        %mul3A_593 = arith.mulf %get3A_590, %mul3A_592 : vector<16xf32>
        %add3A_594 = arith.constant 5.050000e+01 : f32
        %add3A_595 = vector.broadcast %add3A_594 : f32 to vector<16xf32>
        %add3A_596 = arith.addf %mul3A_593, %add3A_595 : vector<16xf32>
        %jit3A_597 = arith.constant 0.000000e+00 : f32
        %jit3A_598 = arith.constant 1.000000e+02 : f32
        %max3A_599 = vector.broadcast %jit3A_597 : f32 to vector<16xf32>
        %max3A_600 = arith.maximumf %max3A_599, %add3A_596 : vector<16xf32>
        %min3A_601 = vector.broadcast %jit3A_598 : f32 to vector<16xf32>
        %min3A_602 = arith.minimumf %min3A_601, %max3A_600 : vector<16xf32>
        %convert_element_type3A_603 = arith.fptosi %min3A_602 : vector<16xf32> to vector<16xi32>
        %gather3A_604 = tpu.vector_load_idx %arg8[%convert_element_type3A_603] : memref<112xf32, #tpu.memory_space<vmem>>[vector<16xi32>], vector<16xf32>,
        %gather3A_605 = tpu.vector_load_idx %arg10[%convert_element_type3A_603] : memref<112xf32, #tpu.memory_space<vmem>>[vector<16xi32>], vector<16xf32>,
        %mul3A_606 = arith.mulf %get3A_590, %gather3A_604 : vector<16xf32>
        %add3A_607 = arith.addf %mul3A_606, %gather3A_605 : vector<16xf32>
        %swap3A_608 = arith.index_cast %add3A_588 : i32 to index
        %swap3A_609 = tpu.vector_load %arg12[%swap3A_608] {strides = array<i32>} : memref<15632xf32, #tpu.memory_space<vmem>>, vector<16xf32>,
        tpu.vector_store %arg12[%swap3A_608], %add3A_607 {strides = array<i32>} : memref<15632xf32, #tpu.memory_space<vmem>>, vector<16xf32>,
        %add3A_610 = arith.constant 48 : i32
        %add3A_611 = arith.addi %add3A_540, %add3A_610 : i32
        %get3A_612 = arith.index_cast %add3A_611 : i32 to index
        %get3A_613 = tpu.vector_load %arg11[%get3A_612] {strides = array<i32>} : memref<15632xf32, #tpu.memory_space<vmem>>, vector<16xf32>,
        %mul3A_614 = arith.constant 9.89999961 : f32
        %mul3A_615 = vector.broadcast %mul3A_614 : f32 to vector<16xf32>
        %mul3A_616 = arith.mulf %get3A_613, %mul3A_615 : vector<16xf32>
        %add3A_617 = arith.constant 5.050000e+01 : f32
        %add3A_618 = vector.broadcast %add3A_617 : f32 to vector<16xf32>
        %add3A_619 = arith.addf %mul3A_616, %add3A_618 : vector<16xf32>
        %jit3A_620 = arith.constant 0.000000e+00 : f32
        %jit3A_621 = arith.constant 1.000000e+02 : f32
        %max3A_622 = vector.broadcast %jit3A_620 : f32 to vector<16xf32>
        %max3A_623 = arith.maximumf %max3A_622, %add3A_619 : vector<16xf32>
        %min3A_624 = vector.broadcast %jit3A_621 : f32 to vector<16xf32>
        %min3A_625 = arith.minimumf %min3A_624, %max3A_623 : vector<16xf32>
        %convert_element_type3A_626 = arith.fptosi %min3A_625 : vector<16xf32> to vector<16xi32>
        %gather3A_627 = tpu.vector_load_idx %arg8[%convert_element_type3A_626] : memref<112xf32, #tpu.memory_space<vmem>>[vector<16xi32>], vector<16xf32>,
        %gather3A_628 = tpu.vector_load_idx %arg10[%convert_element_type3A_626] : memref<112xf32, #tpu.memory_space<vmem>>[vector<16xi32>], vector<16xf32>,
        %mul3A_629 = arith.mulf %get3A_613, %gather3A_627 : vector<16xf32>
        %add3A_630 = arith.addf %mul3A_629, %gather3A_628 : vector<16xf32>
        %swap3A_631 = arith.index_cast %add3A_611 : i32 to index
        %swap3A_632 = tpu.vector_load %arg12[%swap3A_631] {strides = array<i32>} : memref<15632xf32, #tpu.memory_space<vmem>>, vector<16xf32>,
        tpu.vector_store %arg12[%swap3A_631], %add3A_630 {strides = array<i32>} : memref<15632xf32, #tpu.memory_space<vmem>>, vector<16xf32>,
      }
      %scan3A_485 = arith.constant 120 : i32
      %dma_start3A_486 = arith.constant 0 : i32
      %dma_start3A_487 = tpu.memref_slice %arg12[%dma_start3A_486] : memref<15632xf32, #tpu.memory_space<vmem>> -> memref<7680xf32, #tpu.memory_space<vmem>>
      %dma_start3A_488 = arith.constant 484592 : i32
      %dma_start3A_489 = tpu.memref_slice %arg6[%dma_start3A_488] : memref<500000xf32, #tpu.memory_space<hbm>> -> memref<7680xf32, #tpu.memory_space<hbm>>
      %dma_start3A_490 = arith.constant 484592 : i32
      %dma_start3A_491 = tpu.memref_slice %arg6[%dma_start3A_490] : memref<500000xf32, #tpu.memory_space<hbm>> -> memref<7680xf32, #tpu.memory_space<hbm>>
      %dma_start3A_492 = arith.constant 0 : i32
      %dma_start3A_493 = tpu.memref_slice %arg12[%dma_start3A_492] : memref<15632xf32, #tpu.memory_space<vmem>> -> memref<7680xf32, #tpu.memory_space<vmem>>
      tpu.enqueue_dma source(%dma_start3A_493 : memref<7680xf32, #tpu.memory_space<vmem>>) target(%dma_start3A_491 : memref<7680xf32, #tpu.memory_space<hbm>>) target_semaphore(%arg14 : memref<!tpu.dma_semaphore, #tpu.memory_space<semaphore_mem>>)
      %dma_wait3A_494 = arith.constant 7680 : i32
      %dma_wait3A_495 = tpu.memref_slice %arg11[%dma_wait3A_494] : memref<15632xf32, #tpu.memory_space<vmem>> -> memref<7728xf32, #tpu.memory_space<vmem>>
      %dma_wait3A_496 = arith.constant 492272 : i32
      %dma_wait3A_497 = tpu.memref_slice %arg5[%dma_wait3A_496] : memref<500000xf32, #tpu.memory_space<hbm>> -> memref<7728xf32, #tpu.memory_space<hbm>>
      %dma_wait3A_498 = arith.constant 7680 : i32
      %dma_wait3A_499 = tpu.memref_slice %arg11[%dma_wait3A_498] : memref<15632xf32, #tpu.memory_space<vmem>> -> memref<7728xf32, #tpu.memory_space<vmem>>
      %dma_wait3A_500 = arith.constant 492272 : i32
      %dma_wait3A_501 = tpu.memref_slice %arg5[%dma_wait3A_500] : memref<500000xf32, #tpu.memory_space<hbm>> -> memref<7728xf32, #tpu.memory_space<hbm>>
      tpu.wait_dma2 semaphore(%arg15 : memref<!tpu.dma_semaphore, #tpu.memory_space<semaphore_mem>>) src(%dma_wait3A_501 : memref<7728xf32, #tpu.memory_space<hbm>>) dst(%dma_wait3A_499 : memref<7728xf32, #tpu.memory_space<vmem>>)
      %scan3A_502 = arith.constant 0 : i32
      %scan3A_503 = arith.constant 120 : i32
      %scan3A_504 = arith.addi %scan3A_502, %scan3A_503 : i32
      %scan3A_505 = arith.constant 1 : i32
      scf.for %scan3A_536 = %scan3A_502 to %scan3A_504 step %scan3A_505  : i32 {
        %mul3A_537 = arith.constant 64 : i32
        %mul3A_538 = arith.muli %scan3A_536, %mul3A_537 : i32
        %add3A_539 = arith.constant 7680 : i32
        %add3A_540 = arith.addi %add3A_539, %mul3A_538 : i32
        %add3A_541 = arith.constant 0 : i32
        %add3A_542 = arith.addi %add3A_540, %add3A_541 : i32
        %get3A_543 = arith.index_cast %add3A_542 : i32 to index
        %get3A_544 = tpu.vector_load %arg11[%get3A_543] {strides = array<i32>} : memref<15632xf32, #tpu.memory_space<vmem>>, vector<16xf32>,
        %mul3A_545 = arith.constant 9.89999961 : f32
        %mul3A_546 = vector.broadcast %mul3A_545 : f32 to vector<16xf32>
        %mul3A_547 = arith.mulf %get3A_544, %mul3A_546 : vector<16xf32>
        %add3A_548 = arith.constant 5.050000e+01 : f32
        %add3A_549 = vector.broadcast %add3A_548 : f32 to vector<16xf32>
        %add3A_550 = arith.addf %mul3A_547, %add3A_549 : vector<16xf32>
        %jit3A_551 = arith.constant 0.000000e+00 : f32
        %jit3A_552 = arith.constant 1.000000e+02 : f32
        %max3A_553 = vector.broadcast %jit3A_551 : f32 to vector<16xf32>
        %max3A_554 = arith.maximumf %max3A_553, %add3A_550 : vector<16xf32>
        %min3A_555 = vector.broadcast %jit3A_552 : f32 to vector<16xf32>
        %min3A_556 = arith.minimumf %min3A_555, %max3A_554 : vector<16xf32>
        %convert_element_type3A_557 = arith.fptosi %min3A_556 : vector<16xf32> to vector<16xi32>
        %gather3A_558 = tpu.vector_load_idx %arg8[%convert_element_type3A_557] : memref<112xf32, #tpu.memory_space<vmem>>[vector<16xi32>], vector<16xf32>,
        %gather3A_559 = tpu.vector_load_idx %arg10[%convert_element_type3A_557] : memref<112xf32, #tpu.memory_space<vmem>>[vector<16xi32>], vector<16xf32>,
        %mul3A_560 = arith.mulf %get3A_544, %gather3A_558 : vector<16xf32>
        %add3A_561 = arith.addf %mul3A_560, %gather3A_559 : vector<16xf32>
        %swap3A_562 = arith.index_cast %add3A_542 : i32 to index
        %swap3A_563 = tpu.vector_load %arg12[%swap3A_562] {strides = array<i32>} : memref<15632xf32, #tpu.memory_space<vmem>>, vector<16xf32>,
        tpu.vector_store %arg12[%swap3A_562], %add3A_561 {strides = array<i32>} : memref<15632xf32, #tpu.memory_space<vmem>>, vector<16xf32>,
        %add3A_564 = arith.constant 16 : i32
        %add3A_565 = arith.addi %add3A_540, %add3A_564 : i32
        %get3A_566 = arith.index_cast %add3A_565 : i32 to index
        %get3A_567 = tpu.vector_load %arg11[%get3A_566] {strides = array<i32>} : memref<15632xf32, #tpu.memory_space<vmem>>, vector<16xf32>,
        %mul3A_568 = arith.constant 9.89999961 : f32
        %mul3A_569 = vector.broadcast %mul3A_568 : f32 to vector<16xf32>
        %mul3A_570 = arith.mulf %get3A_567, %mul3A_569 : vector<16xf32>
        %add3A_571 = arith.constant 5.050000e+01 : f32
        %add3A_572 = vector.broadcast %add3A_571 : f32 to vector<16xf32>
        %add3A_573 = arith.addf %mul3A_570, %add3A_572 : vector<16xf32>
        %jit3A_574 = arith.constant 0.000000e+00 : f32
        %jit3A_575 = arith.constant 1.000000e+02 : f32
        %max3A_576 = vector.broadcast %jit3A_574 : f32 to vector<16xf32>
        %max3A_577 = arith.maximumf %max3A_576, %add3A_573 : vector<16xf32>
        %min3A_578 = vector.broadcast %jit3A_575 : f32 to vector<16xf32>
        %min3A_579 = arith.minimumf %min3A_578, %max3A_577 : vector<16xf32>
        %convert_element_type3A_580 = arith.fptosi %min3A_579 : vector<16xf32> to vector<16xi32>
        %gather3A_581 = tpu.vector_load_idx %arg8[%convert_element_type3A_580] : memref<112xf32, #tpu.memory_space<vmem>>[vector<16xi32>], vector<16xf32>,
        %gather3A_582 = tpu.vector_load_idx %arg10[%convert_element_type3A_580] : memref<112xf32, #tpu.memory_space<vmem>>[vector<16xi32>], vector<16xf32>,
        %mul3A_583 = arith.mulf %get3A_567, %gather3A_581 : vector<16xf32>
        %add3A_584 = arith.addf %mul3A_583, %gather3A_582 : vector<16xf32>
        %swap3A_585 = arith.index_cast %add3A_565 : i32 to index
        %swap3A_586 = tpu.vector_load %arg12[%swap3A_585] {strides = array<i32>} : memref<15632xf32, #tpu.memory_space<vmem>>, vector<16xf32>,
        tpu.vector_store %arg12[%swap3A_585], %add3A_584 {strides = array<i32>} : memref<15632xf32, #tpu.memory_space<vmem>>, vector<16xf32>,
        %add3A_587 = arith.constant 32 : i32
        %add3A_588 = arith.addi %add3A_540, %add3A_587 : i32
        %get3A_589 = arith.index_cast %add3A_588 : i32 to index
        %get3A_590 = tpu.vector_load %arg11[%get3A_589] {strides = array<i32>} : memref<15632xf32, #tpu.memory_space<vmem>>, vector<16xf32>,
        %mul3A_591 = arith.constant 9.89999961 : f32
        %mul3A_592 = vector.broadcast %mul3A_591 : f32 to vector<16xf32>
        %mul3A_593 = arith.mulf %get3A_590, %mul3A_592 : vector<16xf32>
        %add3A_594 = arith.constant 5.050000e+01 : f32
        %add3A_595 = vector.broadcast %add3A_594 : f32 to vector<16xf32>
        %add3A_596 = arith.addf %mul3A_593, %add3A_595 : vector<16xf32>
        %jit3A_597 = arith.constant 0.000000e+00 : f32
        %jit3A_598 = arith.constant 1.000000e+02 : f32
        %max3A_599 = vector.broadcast %jit3A_597 : f32 to vector<16xf32>
        %max3A_600 = arith.maximumf %max3A_599, %add3A_596 : vector<16xf32>
        %min3A_601 = vector.broadcast %jit3A_598 : f32 to vector<16xf32>
        %min3A_602 = arith.minimumf %min3A_601, %max3A_600 : vector<16xf32>
        %convert_element_type3A_603 = arith.fptosi %min3A_602 : vector<16xf32> to vector<16xi32>
        %gather3A_604 = tpu.vector_load_idx %arg8[%convert_element_type3A_603] : memref<112xf32, #tpu.memory_space<vmem>>[vector<16xi32>], vector<16xf32>,
        %gather3A_605 = tpu.vector_load_idx %arg10[%convert_element_type3A_603] : memref<112xf32, #tpu.memory_space<vmem>>[vector<16xi32>], vector<16xf32>,
        %mul3A_606 = arith.mulf %get3A_590, %gather3A_604 : vector<16xf32>
        %add3A_607 = arith.addf %mul3A_606, %gather3A_605 : vector<16xf32>
        %swap3A_608 = arith.index_cast %add3A_588 : i32 to index
        %swap3A_609 = tpu.vector_load %arg12[%swap3A_608] {strides = array<i32>} : memref<15632xf32, #tpu.memory_space<vmem>>, vector<16xf32>,
        tpu.vector_store %arg12[%swap3A_608], %add3A_607 {strides = array<i32>} : memref<15632xf32, #tpu.memory_space<vmem>>, vector<16xf32>,
        %add3A_610 = arith.constant 48 : i32
        %add3A_611 = arith.addi %add3A_540, %add3A_610 : i32
        %get3A_612 = arith.index_cast %add3A_611 : i32 to index
        %get3A_613 = tpu.vector_load %arg11[%get3A_612] {strides = array<i32>} : memref<15632xf32, #tpu.memory_space<vmem>>, vector<16xf32>,
        %mul3A_614 = arith.constant 9.89999961 : f32
        %mul3A_615 = vector.broadcast %mul3A_614 : f32 to vector<16xf32>
        %mul3A_616 = arith.mulf %get3A_613, %mul3A_615 : vector<16xf32>
        %add3A_617 = arith.constant 5.050000e+01 : f32
        %add3A_618 = vector.broadcast %add3A_617 : f32 to vector<16xf32>
        %add3A_619 = arith.addf %mul3A_616, %add3A_618 : vector<16xf32>
        %jit3A_620 = arith.constant 0.000000e+00 : f32
        %jit3A_621 = arith.constant 1.000000e+02 : f32
        %max3A_622 = vector.broadcast %jit3A_620 : f32 to vector<16xf32>
        %max3A_623 = arith.maximumf %max3A_622, %add3A_619 : vector<16xf32>
        %min3A_624 = vector.broadcast %jit3A_621 : f32 to vector<16xf32>
        %min3A_625 = arith.minimumf %min3A_624, %max3A_623 : vector<16xf32>
        %convert_element_type3A_626 = arith.fptosi %min3A_625 : vector<16xf32> to vector<16xi32>
        %gather3A_627 = tpu.vector_load_idx %arg8[%convert_element_type3A_626] : memref<112xf32, #tpu.memory_space<vmem>>[vector<16xi32>], vector<16xf32>,
        %gather3A_628 = tpu.vector_load_idx %arg10[%convert_element_type3A_626] : memref<112xf32, #tpu.memory_space<vmem>>[vector<16xi32>], vector<16xf32>,
        %mul3A_629 = arith.mulf %get3A_613, %gather3A_627 : vector<16xf32>
        %add3A_630 = arith.addf %mul3A_629, %gather3A_628 : vector<16xf32>
        %swap3A_631 = arith.index_cast %add3A_611 : i32 to index
        %swap3A_632 = tpu.vector_load %arg12[%swap3A_631] {strides = array<i32>} : memref<15632xf32, #tpu.memory_space<vmem>>, vector<16xf32>,
        tpu.vector_store %arg12[%swap3A_631], %add3A_630 {strides = array<i32>} : memref<15632xf32, #tpu.memory_space<vmem>>, vector<16xf32>,
      }
      %scan3A_506 = arith.constant 120 : i32
      %scan3A_507 = arith.constant 0 : i32
      %scan3A_508 = arith.constant 3 : i32
      %scan3A_509 = arith.addi %scan3A_507, %scan3A_508 : i32
      %scan3A_510 = arith.constant 1 : i32
      scf.for %scan3A_536 = %scan3A_507 to %scan3A_509 step %scan3A_510  : i32 {
        %mul3A_537 = arith.constant 16 : i32
        %mul3A_538 = arith.muli %scan3A_536, %mul3A_537 : i32
        %add3A_539 = arith.constant 15360 : i32
        %add3A_540 = arith.addi %add3A_539, %mul3A_538 : i32
        %get3A_541 = arith.index_cast %add3A_540 : i32 to index
        %get3A_542 = tpu.vector_load %arg11[%get3A_541] {strides = array<i32>} : memref<15632xf32, #tpu.memory_space<vmem>>, vector<16xf32>,
        %mul3A_543 = arith.constant 9.89999961 : f32
        %mul3A_544 = vector.broadcast %mul3A_543 : f32 to vector<16xf32>
        %mul3A_545 = arith.mulf %get3A_542, %mul3A_544 : vector<16xf32>
        %add3A_546 = arith.constant 5.050000e+01 : f32
        %add3A_547 = vector.broadcast %add3A_546 : f32 to vector<16xf32>
        %add3A_548 = arith.addf %mul3A_545, %add3A_547 : vector<16xf32>
        %jit3A_549 = arith.constant 0.000000e+00 : f32
        %jit3A_550 = arith.constant 1.000000e+02 : f32
        %max3A_551 = vector.broadcast %jit3A_549 : f32 to vector<16xf32>
        %max3A_552 = arith.maximumf %max3A_551, %add3A_548 : vector<16xf32>
        %min3A_553 = vector.broadcast %jit3A_550 : f32 to vector<16xf32>
        %min3A_554 = arith.minimumf %min3A_553, %max3A_552 : vector<16xf32>
        %convert_element_type3A_555 = arith.fptosi %min3A_554 : vector<16xf32> to vector<16xi32>
        %gather3A_556 = tpu.vector_load_idx %arg8[%convert_element_type3A_555] : memref<112xf32, #tpu.memory_space<vmem>>[vector<16xi32>], vector<16xf32>,
        %gather3A_557 = tpu.vector_load_idx %arg10[%convert_element_type3A_555] : memref<112xf32, #tpu.memory_space<vmem>>[vector<16xi32>], vector<16xf32>,
        %mul3A_558 = arith.mulf %get3A_542, %gather3A_556 : vector<16xf32>
        %add3A_559 = arith.addf %mul3A_558, %gather3A_557 : vector<16xf32>
        %swap3A_560 = arith.index_cast %add3A_540 : i32 to index
        %swap3A_561 = tpu.vector_load %arg12[%swap3A_560] {strides = array<i32>} : memref<15632xf32, #tpu.memory_space<vmem>>, vector<16xf32>,
        tpu.vector_store %arg12[%swap3A_560], %add3A_559 {strides = array<i32>} : memref<15632xf32, #tpu.memory_space<vmem>>, vector<16xf32>,
      }
      %scan3A_511 = arith.constant 3 : i32
      %dma_start3A_512 = arith.constant 7680 : i32
      %dma_start3A_513 = tpu.memref_slice %arg12[%dma_start3A_512] : memref<15632xf32, #tpu.memory_space<vmem>> -> memref<7728xf32, #tpu.memory_space<vmem>>
      %dma_start3A_514 = arith.constant 492272 : i32
      %dma_start3A_515 = tpu.memref_slice %arg6[%dma_start3A_514] : memref<500000xf32, #tpu.memory_space<hbm>> -> memref<7728xf32, #tpu.memory_space<hbm>>
      %dma_start3A_516 = arith.constant 492272 : i32
      %dma_start3A_517 = tpu.memref_slice %arg6[%dma_start3A_516] : memref<500000xf32, #tpu.memory_space<hbm>> -> memref<7728xf32, #tpu.memory_space<hbm>>
      %dma_start3A_518 = arith.constant 7680 : i32
      %dma_start3A_519 = tpu.memref_slice %arg12[%dma_start3A_518] : memref<15632xf32, #tpu.memory_space<vmem>> -> memref<7728xf32, #tpu.memory_space<vmem>>
      tpu.enqueue_dma source(%dma_start3A_519 : memref<7728xf32, #tpu.memory_space<vmem>>) target(%dma_start3A_517 : memref<7728xf32, #tpu.memory_space<hbm>>) target_semaphore(%arg15 : memref<!tpu.dma_semaphore, #tpu.memory_space<semaphore_mem>>)
      %dma_wait3A_520 = arith.constant 0 : i32
      %dma_wait3A_521 = tpu.memref_slice %arg12[%dma_wait3A_520] : memref<15632xf32, #tpu.memory_space<vmem>> -> memref<7680xf32, #tpu.memory_space<vmem>>
      %dma_wait3A_522 = arith.constant 484592 : i32
      %dma_wait3A_523 = tpu.memref_slice %arg6[%dma_wait3A_522] : memref<500000xf32, #tpu.memory_space<hbm>> -> memref<7680xf32, #tpu.memory_space<hbm>>
      %dma_wait3A_524 = arith.constant 484592 : i32
      %dma_wait3A_525 = tpu.memref_slice %arg6[%dma_wait3A_524] : memref<500000xf32, #tpu.memory_space<hbm>> -> memref<7680xf32, #tpu.memory_space<hbm>>
      %dma_wait3A_526 = arith.constant 0 : i32
      %dma_wait3A_527 = tpu.memref_slice %arg12[%dma_wait3A_526] : memref<15632xf32, #tpu.memory_space<vmem>> -> memref<7680xf32, #tpu.memory_space<vmem>>
      tpu.wait_dma2 semaphore(%arg14 : memref<!tpu.dma_semaphore, #tpu.memory_space<semaphore_mem>>) src(%dma_wait3A_527 : memref<7680xf32, #tpu.memory_space<vmem>>) dst(%dma_wait3A_525 : memref<7680xf32, #tpu.memory_space<hbm>>)
      %dma_wait3A_528 = arith.constant 7680 : i32
      %dma_wait3A_529 = tpu.memref_slice %arg12[%dma_wait3A_528] : memref<15632xf32, #tpu.memory_space<vmem>> -> memref<7728xf32, #tpu.memory_space<vmem>>
      %dma_wait3A_530 = arith.constant 492272 : i32
      %dma_wait3A_531 = tpu.memref_slice %arg6[%dma_wait3A_530] : memref<500000xf32, #tpu.memory_space<hbm>> -> memref<7728xf32, #tpu.memory_space<hbm>>
      %dma_wait3A_532 = arith.constant 492272 : i32
      %dma_wait3A_533 = tpu.memref_slice %arg6[%dma_wait3A_532] : memref<500000xf32, #tpu.memory_space<hbm>> -> memref<7728xf32, #tpu.memory_space<hbm>>
      %dma_wait3A_534 = arith.constant 7680 : i32
      %dma_wait3A_535 = tpu.memref_slice %arg12[%dma_wait3A_534] : memref<15632xf32, #tpu.memory_space<vmem>> -> memref<7728xf32, #tpu.memory_space<vmem>>
      tpu.wait_dma2 semaphore(%arg15 : memref<!tpu.dma_semaphore, #tpu.memory_space<semaphore_mem>>) src(%dma_wait3A_535 : memref<7728xf32, #tpu.memory_space<vmem>>) dst(%dma_wait3A_533 : memref<7728xf32, #tpu.memory_space<hbm>>)
    } else {
    }
    return
  }
}

</mosaic_0001>

<sc_bundles>
// kernel: kernel.3.cloned.1.call-start
scs
__scs_entry_jumppad:
0x0: {  	(pc) =	sbr.rel $0x88, $3  }
0x1: {  	(tag) =	ssettag $0x0;
	lr =	simm.s32 $0x1  }
0x2: {  	[smem:$0x3F9D] =	sst lr;
	_ =	strace $0xD0000000  }
0x3: {  	_ = 	snop  }
0x4: {  	_ = 	snop  }
0x5: {  	_ = 	snop  }
0x6: {  	_ = 	snop  }
0x7: {  	_ = 	snop  }
__scs_overlays_trampoline_lowered:
0x8: {  	[smem:$0x3FAC] =	sst s0  }
0x9: {  	[smem:$0x3FAD] =	sst s1  }
0xa: {  	[smem:$0x3FAE] =	sst s2  }
0xb: {  	[smem:$0x3FAF] =	sst s3  }
0xc: {  	[smem:$0x3FB0] =	sst s4  }
0xd: {  	[smem:$0x3FB1] =	sst s5  }
0xe: {  	[smem:$0x3FB2] =	sst s6  }
0xf: {  	[smem:$0x3FB3] =	sst s7  }
0x10: {  	[smem:$0x3FB4] =	sst s8  }
0x11: {  	[smem:$0x3FB5] =	sst s9;
	s0 =	simm.s32 @!p0 $0x0  }
0x12: {  	s1 =	sld [smem:$0x3F9B];
	s0 =	simm.s32 @p0 $0x1  }
0x13: {  	[smem:$0x3FB6] =	sst s0;
	s0 =	simm.s32 @!p1 $0x0  }
0x14: {  	s2 =	sld [smem:$0x3F9A];
	s0 =	simm.s32 @p1 $0x1  }
0x15: {  	[smem:$0x3FB7] =	sst s0;
	s0 =	simm.s32 @!p2 $0x0  }
0x16: {  	s3 =	sld [smem:$0x3FDB];
	s0 =	simm.s32 @p2 $0x1  }
0x17: {  	s4 =	simm.s32 $0x1BF5;
	[smem:$0x3FB9] =	sst s0  }
0x18: {  	s0 =	sld [smem:$0x3F9C];
	_ =	swait.ge [sflag:s4], $0x0  }
0x19: {  	s7 =	sld [smem:$0x3F9D]  }
0x1a: {  	s8 =	sadd.s32 $0xFFFFE003, lr  }
0x1b: {  	s9 =	sadd.s32 $0xFFFFFEF7, lr;
	s5 =	simm.s32 $0xFFFFFFFF;
	p2 =	slt.u32 s8, $0xFFFFF086  }
0x1c: {  	p1 =	slt.u32 s9, $0xF7A;
	s5 =	simm.s32 @!p2 $0x0  }
0x1d: {  	s5 =	simm.s32 @p1 $0x1;
	p0 =	seq.s32 s7, s2  }
0x1e: {  	s7 =	smul.u32 @!p0 $0xF7A, s2;
	p2 =	seq.s32 @!p0 s5, $0x0  }
0x1f: {  	s9 =	smul.u32 $0xF7A, s1;
	s8 =	simm.s32 @!p0 $0x1BF5;
	p2 =	por !p2, p0  }
0x20: {  	[sflag:s8] =	ssyncset.s32 @!p0 $0xFFFFF086;
	s6 =	sadd.s32 @!p0 s3, s7;
	s7 =	simm.s32 @!p0 $0x108  }
0x21: {  	s3 =	sadd.s32 s3, s9;
	s6 =	sadd.s32 @!p0 $0x88, s6;
	s7 =	simm.s32 @p2 $0x1082  }
0x22: {  	[simem:s7], [sflag:s8] =	dma.local @!p0 [hbm:s6], $0xF7A  }
0x23: {  	s9 =	sor.u32 $0xD0000000, s2;
	s6 =	simm.s32 $0x108;
	_ =	swait.ge @!p0 [sflag:s8], $0x0  }
0x24: {  	s3 =	sadd.s32 $0x88, s3;
	s6 =	simm.s32 @!p1 $0x1082;
	[sflag:s4] =	ssyncset.s32 $0xFFFFF086  }
0x25: {  	[simem:s6], [sflag:s4] =	dma.local [hbm:s3], $0xF7A  }
0x26: {  	[smem:$0x3F9D] =	sst s1;
	(tag) =	ssettag s2;
	_ =	strace s9  }
0x27: {  	s1 =	sld [smem:$0x3FAD]  }
0x28: {  	s2 =	sld [smem:$0x3FAE]  }
0x29: {  	s4 =	sld [smem:$0x3FB0]  }
0x2a: {  	p0 =	seq.s32 s5, $0x0;
	s5 =	sld [smem:$0x3FB1]  }
0x2b: {  	s6 =	sld [smem:$0x3FB2]  }
0x2c: {  	s7 =	sld [smem:$0x3FB3]  }
0x2d: {  	s3 =	simm.s32 $0x108;
	s8 =	sld [smem:$0x3FB4]  }
0x2e: {  	s3 =	simm.s32 @!p0 $0x1082;
	s9 =	sld [smem:$0x3FB5]  }
0x2f: {  	lr =	sadd.s32 s0, s3;
	s0 =	sld [smem:$0x3FAC]  }
0x30: {  	s3 =	sld [smem:$0x3FAF]  }
0x31: {  	[smem:$0x3FB8] =	sst s10  }
0x32: {  	s10 =	sld [smem:$0x3FB6];
	_ =	sdelay $0x3  }
0x33: {  	p0 =	seq.s32 s10, $0x1;
	s10 =	sld [smem:$0x3FB8];
	_ =	sdelay $0x3  }
0x34: {  	[smem:$0x3FB8] =	sst s10  }
0x35: {  	s10 =	sld [smem:$0x3FB7];
	_ =	sdelay $0x3  }
0x36: {  	p1 =	seq.s32 s10, $0x1;
	s10 =	sld [smem:$0x3FB8];
	_ =	sdelay $0x3  }
0x37: {  	[smem:$0x3FB8] =	sst s10  }
0x38: {  	s10 =	sld [smem:$0x3FB9]  }
0x39: {  	_ = 	snop;
	(pc) =	sbr.ind lr, $3  }
0x3a: {  	_ = 	snop  }
0x3b: {  	_ = 	snop  }
0x3c: {  	p2 =	seq.s32 s10, $0x1;
	s10 =	sld [smem:$0x3FB8]  }
0x3d: {  	_ =	shalt  }
0x3e: {  	_ =	shalt  }
0x3f: {  	_ =	shalt  }
0x40: {  	_ =	shalt  }
0x41: {  	_ =	shalt  }
0x42: {  	_ =	shalt  }
0x43: {  	_ =	shalt  }
0x44: {  	_ =	shalt  }
0x45: {  	_ =	shalt  }
0x46: {  	_ =	shalt  }
0x47: {  	_ =	shalt  }
0x48: {  	_ =	shalt  }
0x49: {  	_ =	shalt  }
0x4a: {  	_ =	shalt  }
0x4b: {  	_ =	shalt  }
0x4c: {  	_ =	shalt  }
0x4d: {  	_ =	shalt  }
0x4e: {  	_ =	shalt  }
0x4f: {  	_ =	shalt  }
0x50: {  	_ =	shalt  }
0x51: {  	_ =	shalt  }
0x52: {  	_ =	shalt  }
0x53: {  	_ =	shalt  }
0x54: {  	_ =	shalt  }
0x55: {  	_ =	shalt  }
0x56: {  	_ =	shalt  }
0x57: {  	_ =	shalt  }
0x58: {  	_ =	shalt  }
0x59: {  	_ =	shalt  }
0x5a: {  	_ =	shalt  }
0x5b: {  	_ =	shalt  }
0x5c: {  	_ =	shalt  }
0x5d: {  	_ =	shalt  }
0x5e: {  	_ =	shalt  }
0x5f: {  	_ =	shalt  }
0x60: {  	_ =	shalt  }
0x61: {  	_ =	shalt  }
0x62: {  	_ =	shalt  }
0x63: {  	_ =	shalt  }
0x64: {  	_ =	shalt  }
0x65: {  	_ =	shalt  }
0x66: {  	_ =	shalt  }
0x67: {  	_ =	shalt  }
0x68: {  	_ =	shalt  }
0x69: {  	_ =	shalt  }
0x6a: {  	_ =	shalt  }
0x6b: {  	_ =	shalt  }
0x6c: {  	_ =	shalt  }
0x6d: {  	_ =	shalt  }
0x6e: {  	_ =	shalt  }
0x6f: {  	_ =	shalt  }
0x70: {  	_ =	shalt  }
0x71: {  	_ =	shalt  }
0x72: {  	_ =	shalt  }
0x73: {  	_ =	shalt  }
0x74: {  	_ =	shalt  }
0x75: {  	_ =	shalt  }
0x76: {  	_ =	shalt  }
0x77: {  	_ =	shalt  }
0x78: {  	_ =	shalt  }
0x79: {  	_ =	shalt  }
0x7a: {  	_ =	shalt  }
0x7b: {  	_ =	shalt  }
0x7c: {  	_ =	shalt  }
0x7d: {  	_ =	shalt  }
0x7e: {  	_ =	shalt  }
0x7f: {  	_ =	shalt  }
0x80: {  	_ =	shalt  }
0x81: {  	_ =	shalt  }
0x82: {  	_ =	shalt  }
0x83: {  	_ =	shalt  }
0x84: {  	_ =	shalt  }
0x85: {  	_ =	shalt  }
0x86: {  	_ =	shalt  }
0x87: {  	_ =	shalt  }
.Lfunc_end0:
.L_simem_size_0:
called_computation_lowered:
.L_overlay_start_0:
0x88: {  	s2 =	sld [smem:$0x3FD9]  }
0x89: {  	s3 =	sld [smem:$0x3FFE];
	_ =	sdelay $0x1  }
0x8a: {  	s1 =	srdreg.scid  }
0x8b: {  	s0 =	sand.u32 $0x1, s1  }
0x8c: {  	s17 =	sshll.u32 s0, $0xA;
	s2 =	sadd.s32 s3, s2  }
0x8d: {  	s2 =	sadd.s32 s2, s17  }
0x8e: {  	[smem:$0x3FC4] =	sst s2  }
0x8f: {  	_ = 	snop  }
0x90: {  	s2 =	sld [smem:$0x3FC8]  }
0x91: {  	s18 =	sld [smem:$0x3FC7]  }
0x92: {  	s4 =	sld [smem:$0x3FC6];
	(tm) =	ssettm $0x1  }
0x93: {  	s5 =	sld [smem:$0x3FFB];
	_ =	sdelay $0x3  }
0x94: {  	_ =	strace s5  }
0x95: {  	s5 =	sld [smem:$0x3FFC];
	_ =	sdelay $0x3  }
0x96: {  	_ =	strace s5  }
0x97: {  	s5 =	sld [smem:$0x3FFD];
	_ =	sdelay $0x3  }
0x98: {  	_ =	strace s5  }
0x99: {  	_ =	strace $0x8FFFFFFF  }
0x9a: {  	s19 =	sld [smem:$0x3FDB];
	_ =	sdelay $0x1  }
0x9b: {  	s6 =	simm.s32 $_scs_section_size  }
0x9c: {  	s7 =	simm.s32 $_size__tile_overlayer_lowered;
	s8 =	simm.s32 $_tile_overlayer_lowered  }
0x9d: {  	s22 =	simm.s32 $0x1BFF;
	s21 =	sshll.u32 s8, $0x1;
	s5 =	sadd.s32 s6, s19  }
0x9e: {  	s9 =	simm.s32 $0x0;
	s20 =	sshll.u32 s7, $0x1;
	s7 =	sadd.s32 s21, s5  }
0x9f: {  	[timem:s9], [sflag:s22] =	dma.local [hbm:s7], s20  }
0xa0: {  	_ =	swait.ge [sflag:s22], s20  }
0xa1: {  	s6 =	ssub.s32 $0x0, s20;
	[sflag:s22] =	ssyncset.done $0x0  }
0xa2: {  	[sflag:s22] =	ssyncadd.s32 s6;
	_ =	sdelay $0x1  }
0xa3: {  	s23 =	simm.s32 $0x1B8B  }
0xa4: {  	_ =	swait.ge [sflag:s23], $0x1  }
0xa5: {  	[sflag:s23] =	ssyncset.done $0x0  }
0xa6: {  	s25 =	simm.s32 $0x1B8E;
	s24 =	sld [smem:$0x3FFE];
	[sflag:s23] =	ssyncadd.s32 $0xFFFFFFFF  }
0xa7: {  	s26 =	simm.s32 $execute0_lowered;
	[smem:$0x3FD2] =	sst s25  }
0xa8: {  	s7 =	sshll.u32 s26, $0x1;
	_ =	strace $0x80000046;
	[dreg:$0x1] =	wrdreg $0xFFFFFFFF  }
0xa9: {  	s28 =	simm.s32 $_size_execute0_lowered;
	s5 =	sadd.s32 s5, s7;
	[dreg:$0x0] =	wrdreg $0x0  }
0xaa: {  	s7 =	sshll.u32 s28, $0x1;
	[dreg:$0x2] =	wrdreg s5  }
0xab: {  	[dreg:$0x3] =	wrdreg s7  }
0xac: {  	[dreg:$0x4] =	wrdreg $0xC0  }
0xad: {  	_ =	task [dreg:s9], $0x5FFFF  }
0xae: {  	[dreg:$0x1] =	wrdreg $0xFFFFFFFF  }
0xaf: {  	[dreg:$0x0] =	wrdreg $0x60  }
0xb0: {  	[dreg:$0x2] =	wrdreg s2  }
0xb1: {  	[dreg:$0x3] =	wrdreg s4  }
0xb2: {  	[dreg:$0x4] =	wrdreg s18  }
0xb3: {  	[dreg:$0x5] =	wrdreg s24  }
0xb4: {  	[dreg:$0x6] =	wrdreg $0x9  }
0xb5: {  	_ =	task.clear_ibuf [dreg:s9], $0x7FFFF;
	_ =	strace $0x90000046  }
0xb6: {  	s29 =	simm.s32 $0x9;
	_ =	strace $0x80000048  }
0xb7: {  	_ =	swait.ge [sflag:s29], $0x1  }
0xb8: {  	[sflag:s29] =	ssyncadd.s32 $0xFFFFFFFF  }
0xb9: {  	_ =	strace $0x90000048  }
0xba: {  	_ =	sfence  }
0xbb: {  	s30 =	sld [smem:$0x0];
	_ =	sdelay $0x2  }
0xbc: {  	s31 =	sshll.u32 s1, $0xD;
	s1 =	sshrl.u32 s1, $0x2  }
0xbd: {  	s3 =	sand.u32 $0x4000, s31;
	s1 =	sadd.s32 s1, s30  }
0xbe: {  	s0 =	sor.u32 s3, s0;
	s1 =	sshll.u32 s1, $0x11  }
0xbf: {  	s0 =	sor.u32 s1, s0  }
0xc0: {  	s0 =	sadd.s32 $0x8F2B, s0  }
0xc1: {  	[sflag:s0] =	ssyncadd.remote.s32 $0x1  }
0xc2: {  	_ =	sfence.sel $0xFFFF  }
0xc3: {  	[dreg:$0x0] =	wrdreg $0xFFFFFFFF;
	(pc) =	sbr.abs _section_cstart, $3  }
0xc4: {  	[dreg:$0x1] =	wrdreg $0xFFFFFFFF  }
0xc5: {  	_ =	task.clear_ibuf [dreg:s9], $0x2FFFF;
	_ =	strace $0x9FFFFFFF  }
0xc6: {  	(tm) =	ssettm $0x7FFFFFFF  }
0xc7: {  	_ =	shalt  }
tec
execute0_lowered:
.L_overlay_start_1:
0x0: {  	(tag) =	ssettag $0x1  }
0x1: {  	s1 =	rddreg [dreg:$0x0]  }
0x2: {  	s2 =	rddreg [dreg:$0x1]  }
0x3: {  	s4 =	rddreg [dreg:$0x2]  }
0x4: {  	s0 =	rddreg [dreg:$0x3];
	v0 =	vimm.s32 $0xEDCBA987;
	v1 =	vimm.s32 $0x65432100  }
0x5: {  	s3 =	srdreg.scid;
	s6 =	stileid.u32;
	s5 =	simm.s32 $0x0;
	v2 =	vimm.s32 $0x7A797877;
	v4 =	vimm.s32 $0x72717070;
	v5 =	vimm.s32 $0x76757473  }
0x6: {  	vm0 =	vcmask $0x1F10;
	s16 =	simm.s32 $0xE0;
	s17 =	simm.s32 $0x240;
	v9 =	vimm.s32 $0xD2D1D0CF;
	s19 =	simm.s32 $0x1  }
0x7: {  	s20 =	simm.s32 $0x160;
	v11 =	vimm.s32 $0x6261605F;
	s21 =	simm.s32 $0x2;
	s22 =	simm.s32 $0xF0;
	vm1 =	vcmask $0xF00;
	v0 =	vunpack.c.l.s4.s8 v0  }
0x8: {  	s23 =	simm.s32 $0x1D0;
	s24 =	simm.s32 $0x3F50;
	s25 =	simm.s32 $0x3;
	v1 =	vunpack.c.l.s4.s8 v1;
	v2 =	vunpack.c.0.s8.s32 v2;
	v4 =	vunpack.c.0.s8.s32 v4  }
0x9: {  	s28 =	simm.s32 $0x20C0;
	s29 =	simm.s32 $0x5DD0;
	s30 =	simm.s32 $0x0;
	v5 =	vunpack.c.0.s8.s32 v5;
	v12 =	vunpack.c.0.s8.s32 v9;
	v13 =	vunpack.c.0.s8.s32 v11  }
0xa: {  	s3 =	sand.u32 $0x1, s3;
	s6 =	sshll.u32 s6, $0x1;
	[smem:$0x7FF] =	sst s5;
	v3 =	vunpack.c.0.s8.s32 v0;
	v0 =	vimm.s32 $0x7E7D7C7B;
	v1 =	vunpack.c.0.s8.s32 v1  }
0xb: {  	s9 =	sadd.s32 $0xF600, s0;
	s11 =	sadd.s32 $0xF05E, s0;
	s14 =	sor.u32 s3, s6;
	v4 =	vsel vm0, v5, v4;
	v14 =	vand.u32 $0xFF, v12;
	v13 =	vnsel vm1, $0x63, v13  }
0xc: {  	s12 =	sadd.s32 $0x1E29E, s0;
	s3 =	ssub.s32 $0x2, s3;
	s6 =	smul.u32 $0x3D10, s14;
	v6 =	vunpack.c.0.s8.s32 v0;
	v0 =	vlaneseq.u32;
	v14 =	vnsel vm1, $0xD3, v14  }
.Ltmp0:
0xd: {  	s13 =	sadd.s32 $0x1E65E, s0;
	s7 =	sshrl.u32 s3, $0x1;
	v3 =	vand.u32 $0xF, v3;
	v5 =	vadd.s32 $0x1F, v0;
	v7 =	vadd.s32 $0x2F, v0;
	(pc) =	sbr.rel .LBB2_1-.Ltmp0, $4  }
0xe: {  	_ =	strace $0x80000047;
	p0 =	seq.s32 s14, $0x1F;
	s3 =	ssub.s32 s3, s7;
	v8 =	vadd.s32 $0x9F, v0;
	v9 =	vadd.s32 $0x3F, v0;
	v10 =	vadd.s32 $0xAF, v0  }
0xf: {  	s14 =	simm.s32 $0x70;
	s8 =	sshrl.u32 s6, $0x3;
	s15 =	smax.u32 s3, $0x1;
	v11 =	vadd.s32 $0x4F, v0;
	v12 =	vadd.s32 $0xBF, v0;
	v2 =	vsel vm0, v6, v2  }
0x10: {  	s6 =	sadd.s32 s0, s8;
	s10 =	sadd.s32 $0x3D0, s8;
	s8 =	sadd.s32 s9, s8;
	vm0 =	vmmov $0xf;
	v1 =	vcombine.low v1, v3;
	v3 =	vadd.s32 $0xF, v0  }
0x11: {  	v6 =	vadd.s32 $0x8F, v0;
	s7 =	sadd.s32 s0, s10;
	s9 =	sadd.s32 s9, s10;
	s10 =	sadd.s32 $0xEC9E, s0;
	v2 =	vcombine.low v4, v2;
	v4 =	vadd.s32 $0x7F, v0  }
.LBB2_11:
0x12: {  	v20 =	vld [tilespmem:s0+$0x2040]  }
0x13: {  	v19 =	vtrunc.f32 v19  }
0x14: {  	v19 =	vcvt.f32.s32 v19  }
0x15: {  	v16 =	vmul.f32 v17, v16;
	_ =	sdelay $0x1  }
0x16: {  	v16 =	vadd.f32 v18, v16;
	v43 =	vmul.f32 $9.899999610e+00, v20;
	_ =	sdelay $0x1  }
0x17: {  	[tilespmem:s31+$0x5D70] =	vst v16;
	v44 =	vadd.f32 $5.050000000e+01, v43  }
0x18: {  	v45 =	vld.idx.msk [tilespmem:v19+s22+$0x0], $0xffff  }
0x19: {  	v47 =	vld [tilespmem:s0+$0x2050];
	v16 =	vmax.f32 v44, $0.0e+00  }
0x1a: {  	v46 =	vld.idx.msk [tilespmem:v19+s23+$0x0], $0xffff;
	v16 =	vmin.f32 v16, $1.000000000e+02  }
0x1b: {  	v16 =	vtrunc.f32 v16  }
0x1c: {  	v16 =	vcvt.f32.s32 v16  }
0x1d: {  	v15 =	vmul.f32 v45, v15;
	_ =	sdelay $0x1  }
0x1e: {  	v48 =	vmul.f32 $9.899999610e+00, v47;
	v15 =	vadd.f32 v46, v15;
	_ =	sdelay $0x1  }
0x1f: {  	[tilespmem:s31+$0x5D80] =	vst v15;
	v15 =	vadd.f32 $5.050000000e+01, v48  }
0x20: {  	v49 =	vld.idx.msk [tilespmem:v16+s22+$0x0], $0xffff  }
0x21: {  	v50 =	vld [tilespmem:s0+$0x2060];
	v15 =	vmax.f32 v15, $0.0e+00  }
0x22: {  	v16 =	vld.idx.msk [tilespmem:v16+s23+$0x0], $0xffff;
	v15 =	vmin.f32 v15, $1.000000000e+02  }
0x23: {  	v15 =	vtrunc.f32 v15  }
0x24: {  	v15 =	vcvt.f32.s32 v15  }
0x25: {  	v17 =	vmul.f32 v49, v20;
	_ =	sdelay $0x1  }
0x26: {  	v51 =	vmul.f32 $9.899999610e+00, v50;
	v16 =	vadd.f32 v16, v17;
	_ =	sdelay $0x1  }
0x27: {  	v52 =	vadd.f32 $5.050000000e+01, v51;
	[tilespmem:s0+$0x5D50] =	vst v16  }
0x28: {  	v53 =	vld.idx.msk [tilespmem:v15+s22+$0x0], $0xffff  }
0x29: {  	v54 =	vld [tilespmem:s0+$0x2070];
	v16 =	vmax.f32 v52, $0.0e+00  }
0x2a: {  	v15 =	vld.idx.msk [tilespmem:v15+s23+$0x0], $0xffff;
	v16 =	vmin.f32 v16, $1.000000000e+02  }
0x2b: {  	v16 =	vtrunc.f32 v16  }
0x2c: {  	v16 =	vcvt.f32.s32 v16  }
0x2d: {  	v17 =	vmul.f32 v53, v47;
	_ =	sdelay $0x1  }
0x2e: {  	v55 =	vmul.f32 $9.899999610e+00, v54;
	v15 =	vadd.f32 v15, v17;
	_ =	sdelay $0x1  }
0x2f: {  	[tilespmem:s0+$0x5D60] =	vst v15;
	v15 =	vadd.f32 $5.050000000e+01, v55  }
0x30: {  	v56 =	vld.idx.msk [tilespmem:v16+s22+$0x0], $0xffff  }
0x31: {  	v15 =	vmax.f32 v15, $0.0e+00  }
0x32: {  	v16 =	vld.idx.msk [tilespmem:v16+s23+$0x0], $0xffff;
	v15 =	vmin.f32 v15, $1.000000000e+02  }
0x33: {  	v15 =	vtrunc.f32 v15  }
0x34: {  	v15 =	vcvt.f32.s32 v15  }
0x35: {  	v17 =	vmul.f32 v56, v50;
	_ =	sdelay $0x1  }
0x36: {  	v16 =	vadd.f32 v16, v17;
	_ =	sdelay $0x1  }
0x37: {  	[tilespmem:s0+$0x5D70] =	vst v16  }
0x38: {  	v16 =	vld.idx.msk [tilespmem:v15+s22+$0x0], $0xffff;
	_ =	sdelay $0x1  }
0x39: {  	v15 =	vld.idx.msk [tilespmem:v15+s23+$0x0], $0xffff;
	_ =	sdelay $0x2  }
0x3a: {  	v16 =	vmul.f32 v16, v54;
	_ =	sdelay $0x1  }
0x3b: {  	v15 =	vadd.f32 v15, v16;
	_ =	sdelay $0x1  }
0x3c: {  	[tilespmem:s0+$0x5D80] =	vst v15  }
0x3d: {  	v15 =	vld [tilespmem:$0x3E40];
	_ =	sdelay $0x4  }
0x3e: {  	v57 =	vmul.f32 $9.899999610e+00, v15;
	_ =	sdelay $0x1  }
0x3f: {  	v16 =	vadd.f32 $5.050000000e+01, v57;
	_ =	sdelay $0x1  }
0x40: {  	v16 =	vmax.f32 v16, $0.0e+00  }
0x41: {  	v58 =	vld [tilespmem:$0x3E50];
	v16 =	vmin.f32 v16, $1.000000000e+02  }
0x42: {  	v16 =	vtrunc.f32 v16  }
0x43: {  	v16 =	vcvt.f32.s32 v16;
	_ =	sdelay $0x2  }
0x44: {  	v59 =	vmul.f32 $9.899999610e+00, v58;
	_ =	sdelay $0x1  }
0x45: {  	v18 =	vadd.f32 $5.050000000e+01, v59  }
0x46: {  	v60 =	vld.idx.msk [tilespmem:v16+s22+$0x0], $0xffff  }
0x47: {  	v61 =	vld [tilespmem:$0x3E60];
	v18 =	vmax.f32 v18, $0.0e+00  }
0x48: {  	v18 =	vmin.f32 v18, $1.000000000e+02;
	v16 =	vld.idx.msk [tilespmem:v16+s23+$0x0], $0xffff  }
0x49: {  	v18 =	vtrunc.f32 v18  }
0x4a: {  	v18 =	vcvt.f32.s32 v18  }
0x4b: {  	v15 =	vmul.f32 v60, v15;
	_ =	sdelay $0x1  }
0x4c: {  	v62 =	vmul.f32 $9.899999610e+00, v61;
	v15 =	vadd.f32 v16, v15;
	_ =	sdelay $0x1  }
0x4d: {  	[tilespmem:$0x7B50] =	vst v15;
	v15 =	vadd.f32 $5.050000000e+01, v62  }
0x4e: {  	v63 =	vld.idx.msk [tilespmem:v18+s22+$0x0], $0xffff  }
0x4f: {  	v15 =	vmax.f32 v15, $0.0e+00  }
0x50: {  	v18 =	vld.idx.msk [tilespmem:v18+s23+$0x0], $0xffff;
	v15 =	vmin.f32 v15, $1.000000000e+02  }
0x51: {  	v15 =	vtrunc.f32 v15  }
0x52: {  	v15 =	vcvt.f32.s32 v15  }
0x53: {  	v16 =	vmul.f32 v63, v58;
	_ =	sdelay $0x1  }
0x54: {  	v16 =	vadd.f32 v18, v16;
	_ =	sdelay $0x1  }
0x55: {  	[tilespmem:$0x7B60] =	vst v16  }
0x56: {  	v16 =	vld.idx.msk [tilespmem:v15+s22+$0x0], $0xffff;
	_ =	sdelay $0x1  }
0x57: {  	v15 =	vld.idx.msk [tilespmem:v15+s23+$0x0], $0xffff;
	_ =	sdelay $0x2  }
0x58: {  	v16 =	vmul.f32 v16, v61;
	_ =	sdelay $0x1  }
0x59: {  	v15 =	vadd.f32 v15, v16;
	_ =	sdelay $0x1  }
0x5a: {  	s31 =	simm.s32 $0x5D50;
	[tilespmem:$0x7B70] =	vst v15  }
0x5b: {  	[hbm4b:s13+s5] =	stream.linear.scatter [tilespmem:s31], [sflag:$0x3], $0x1E30, $0x38;
	[tilespmem:$0x7C60] =	vst v63  }
0x5c: {  	_ =	swait.ge [sflag:s21], $0x1E00  }
0x5d: {  	[sflag:s21] =	ssyncset.done $0x0  }
0x5e: {  	[sflag:s21] =	ssyncadd.s32 $0xFFFFE200  }
0x5f: {  	_ =	swait.ge [sflag:s25], $0x1E30  }
0x60: {  	[sflag:s25] =	ssyncset.done $0x0  }
0x61: {  	[sflag:s25] =	ssyncadd.s32 $0xFFFFE1D0  }
.LBB2_12:
0x62: {  	s30 =	sadd.s32 $0x1, s30  }
0x63: {  	p1 =	sne.s32 s30, s15  }
.Ltmp1:
0x64: {  	_ = 	snop;
	(pc) =	sbr.rel @!p1 .LBB2_13-.Ltmp1, $1  }
0x65: {  	_ =	sdelay $0x3  }
.LBB2_1:
0x66: {  	[tilespmem:s5], [sflag:$0x1] =	stream.linear.gather [hbm4b:s1+s5], $0x65, $0x38;
	[tilespmem:$0x7C60] =	vst v63  }
.Ltmp2:
0x67: {  	_ = 	snop;
	(pc) =	sbr.rel @!p0 .LBB2_2-.Ltmp2, $4  }
0x68: {  	_ = 	snop  }
0x69: {  	[tilespmem:s14], [sflag:$0x1] =	stream.linear.gather [hbm4b:s2+s5], $0x64, $0x38;
	[tilespmem:$0x7C60] =	vst v63  }
0x6a: {  	s31 =	simm.s32 $0x0  }
0x6b: {  	[tilespmem:s16], [sflag:$0x1] =	stream.linear.gather [hbm4b:s4+s5], $0x1, $0x38;
	[tilespmem:$0x7C60] =	vst v63  }
0x6c: {  	[tilespmem:s17], [sflag:$0x2] =	stream.linear.gather [hbm4b:s10+s31], $0x1E00, $0x38;
	[tilespmem:$0x7C60] =	vst v63  }
0x6d: {  	s0 =	simm.s32 $0x2040  }
0x6e: {  	[tilespmem:s0], [sflag:$0x3] =	stream.linear.gather [hbm4b:s11+s31], $0x1E30, $0x38;
	[tilespmem:$0x7C60] =	vst v63  }
0x6f: {  	_ =	swait.ge [sflag:s19], $0x65  }
0x70: {  	[sflag:s19] =	ssyncset.done $0x0  }
0x71: {  	[sflag:s19] =	ssyncadd.s32 $0xFFFFFF9B  }
0x72: {  	_ =	swait.ge [sflag:s19], $0x64  }
0x73: {  	[sflag:s19] =	ssyncset.done $0x0  }
0x74: {  	[sflag:s19] =	ssyncadd.s32 $0xFFFFFF9C  }
0x75: {  	_ =	swait.ge [sflag:s19], $0x1  }
0x76: {  	[sflag:s19] =	ssyncset.done $0x0  }
0x77: {  	[sflag:s19] =	ssyncadd.s32 $0xFFFFFFFF  }
0x78: {  	v15 =	vld [tilespmem:$0x0]  }
0x79: {  	v16 =	vld [tilespmem:$0x10];
	_ =	sdelay $0x1  }
0x7a: {  	v17 =	vld [tilespmem:$0x20]  }
0x7b: {  	v18 =	vld [tilespmem:$0x30]  }
0x7c: {  	v15 =	vmul.f32 $1.442695020e+00, v15  }
0x7d: {  	v16 =	vmul.f32 $1.442695020e+00, v16  }
0x7e: {  	(erf) = vpow2.f32 v15;
	v15 =	vld [tilespmem:$0x40]  }
0x7f: {  	(erf) = vpow2.f32 v16  }
0x80: {  	v16 =	vmul.f32 $1.442695020e+00, v17;
	v17 =	vmul.f32 $1.442695020e+00, v18;
	v18 =	vld [tilespmem:$0x50];
	_ =	sdelay $0x1  }
0x81: {  	(erf) = vpow2.f32 v16  }
0x82: {  	v15 =	vmul.f32 $1.442695020e+00, v15  }
0x83: {  	(erf) = vpow2.f32 v17  }
0x84: {  	(erf) = vpow2.f32 v15;
	v15 =	vmul.f32 $1.442695020e+00, v18;
	_ =	sdelay $0x2  }
0x85: {  	v16 =	vpop (erf)  }
0x86: {  	(erf) = vpow2.f32 v15;
	v15 =	vpop (erf)  }
0x87: {  	v15 =	vadd.f32 $1.000000050e-03, v15  }
0x88: {  	v17 =	vpop (erf)  }
0x89: {  	[tilespmem:$0x100] =	vst v15;
	v15 =	vadd.f32 $1.000000050e-03, v17  }
0x8a: {  	v18 =	vpop (erf)  }
0x8b: {  	v16 =	vadd.f32 $1.000000050e-03, v16;
	v17 =	vadd.f32 $1.000000050e-03, v18;
	v18 =	vld [tilespmem:$0x100]  }
0x8c: {  	[tilespmem:$0x110] =	vst v15  }
0x8d: {  	[tilespmem:$0x120] =	vst v17;
	v17 =	vmul.f32 $1.010100990e-01, v16;
	v19 =	vld [tilespmem:$0x110];
	v15 =	vpop (erf)  }
0x8e: {  	vm1 =	veq.s32 v0, $0x0;
	v61 =	vld [tilespmem:$0x60];
	v15 =	vadd.f32 $1.000000050e-03, v15  }
0x8f: {  	v20 =	vld [tilespmem:$0x120];
	v17 =	vsel vm1, $0x0, v17;
	v21 =	vpop (erf)  }
0x90: {  	(xrf2) =	vadd.scan.msk.f32 $0xffff, v17;
	v17 =	vmul.f32 $1.010100990e-01, v18;
	[tilespmem:$0x130] =	vst v15;
	v15 =	vadd.f32 $1.000000050e-03, v21  }
0x91: {  	v18 =	vld [tilespmem:$0x130]  }
0x92: {  	(xrf2) =	vadd.scan.msk.f32 $0xffff, v17;
	[tilespmem:$0x140] =	vst v15;
	v15 =	vmul.f32 $1.010100990e-01, v19  }
0x93: {  	v19 =	vld [tilespmem:$0x140]  }
0x94: {  	v17 =	vmul.f32 $1.010100990e-01, v20;
	v20 =	vmul.f32 $1.442695020e+00, v61;
	(xrf2) =	vadd.scan.msk.f32 $0xffff, v15  }
0x95: {  	v15 =	vld [tilespmem:$0xE0]  }
0x96: {  	(erf) = vpow2.f32 v20;
	(xrf2) =	vadd.scan.msk.f32 $0xffff, v17;
	v17 =	vmul.f32 $1.010100990e-01, v18;
	_ =	sdelay $0x1  }
0x97: {  	(xrf2) =	vadd.scan.msk.f32 $0xffff, v17;
	v17 =	vmul.f32 $1.010100990e-01, v19;
	_ =	sdelay $0x1  }
0x98: {  	v18, _, _ =	vpop (xrf2);
	(v2sf) =	vpush v15, $0x0;
	(xrf2) =	vadd.scan.msk.f32 $0xffff, v17  }
0x99: {  	(v2sf) =	vpush v18, $0xF  }
0x9a: {  	v17, _, _ =	vpop (xrf2)  }
0x9b: {  	(v2sf) =	vpush v17, $0xF  }
0x9c: {  	v19, _, _ =	vpop (xrf2)  }
0x9d: {  	v62 =	vpop (erf);
	(v2sf) =	vpush v19, $0xF  }
0x9e: {  	v20, _, _ =	vpop (xrf2)  }
0x9f: {  	v21 =	vadd.f32 $1.000000050e-03, v62;
	(v2sf) =	vpush v20, $0xF  }
0xa0: {  	v22, _, _ =	vpop (xrf2)  }
0xa1: {  	[tilespmem:$0x150] =	vst v21;
	(v2sf) =	vpush v22, $0xF  }
0xa2: {  	v23 =	vld [tilespmem:$0x150];
	v63, _, _ =	vpop (xrf2)  }
0xa3: {  	(v2sf) =	vpush v63, $0xF;
	_ =	sdelay $0x3  }
0xa4: {  	v23 =	vmul.f32 $1.010100990e-01, v23;
	s18 =	spop (v2sf)  }
0xa5: {  	s3 =	spop (v2sf)  }
0xa6: {  	v23 =	vnsel vm0, $0x0, v23;
	s0 =	sadd.f32 s3, s18  }
0xa7: {  	(xrf2) =	vadd.scan.msk.f32 $0xffff, v23;
	s26 =	spop (v2sf)  }
0xa8: {  	s3 =	sadd.f32 s26, s0  }
0xa9: {  	s18 =	spop (v2sf)  }
0xaa: {  	v15 =	vbroadcast v15, $0x0;
	s18 =	sadd.f32 s18, s3  }
0xab: {  	s26 =	spop (v2sf)  }
0xac: {  	v15 =	vadd.f32 v18, v15;
	s26 =	sadd.f32 s26, s18  }
0xad: {  	[tilespmem:$0xF0] =	vst v16;
	v16 =	vadd.f32 s0, v17;
	v17 =	vadd.f32 s3, v19;
	s0 =	spop (v2sf)  }
0xae: {  	[tilespmem:$0x160] =	vst v15;
	s0 =	sadd.f32 s0, s26  }
0xaf: {  	[tilespmem:$0x170] =	vst v16;
	v15 =	vadd.f32 s18, v20;
	s18 =	spop (v2sf)  }
0xb0: {  	[tilespmem:$0x180] =	vst v17;
	v16 =	vadd.f32 s26, v22;
	s3 =	sadd.f32 s18, s0  }
0xb1: {  	[tilespmem:$0x190] =	vst v15;
	v17, _, _ =	vpop (xrf2);
	v15 =	vadd.f32 s0, v63  }
0xb2: {  	[tilespmem:$0x1A0] =	vst v16;
	v16 =	vadd.f32 s3, v17  }
0xb3: {  	[tilespmem:$0x1B0] =	vst v15  }
0xb4: {  	[tilespmem:$0x1C0] =	vst v16;
	v16 =	vld [tilespmem:$0xF0]  }
0xb5: {  	v15 =	vld.idx.msk [tilespmem:v2+s31+$0x0], $0xffff;
	_ =	sdelay $0x1  }
0xb6: {  	v17 =	vld.idx.msk [tilespmem:v1+s20+$0x0], $0xffff;
	_ =	sdelay $0x2  }
0xb7: {  	v15 =	vmul.f32 v16, v15;
	_ =	sdelay $0x1  }
0xb8: {  	v15 =	vsub.f32 v17, v15;
	_ =	sdelay $0x1  }
0xb9: {  	v16 =	vld [tilespmem:$0x100];
	[tilespmem:$0x1D0] =	vst v15  }
0xba: {  	v15 =	vld.idx.msk [tilespmem:v4+s31+$0x0], $0xffff;
	_ =	sdelay $0x1  }
0xbb: {  	v17 =	vld.idx.msk [tilespmem:v3+s20+$0x0], $0xffff;
	_ =	sdelay $0x2  }
0xbc: {  	v15 =	vmul.f32 v16, v15;
	_ =	sdelay $0x1  }
0xbd: {  	v15 =	vsub.f32 v17, v15;
	_ =	sdelay $0x1  }
0xbe: {  	v16 =	vld [tilespmem:$0x110];
	[tilespmem:$0x1E0] =	vst v15  }
0xbf: {  	v15 =	vld.idx.msk [tilespmem:v6+s31+$0x0], $0xffff;
	_ =	sdelay $0x1  }
0xc0: {  	v17 =	vld.idx.msk [tilespmem:v5+s20+$0x0], $0xffff;
	_ =	sdelay $0x2  }
0xc1: {  	v15 =	vmul.f32 v16, v15;
	_ =	sdelay $0x1  }
0xc2: {  	v15 =	vsub.f32 v17, v15;
	_ =	sdelay $0x1  }
0xc3: {  	v16 =	vld [tilespmem:$0x120];
	[tilespmem:$0x1F0] =	vst v15  }
0xc4: {  	v15 =	vld.idx.msk [tilespmem:v8+s31+$0x0], $0xffff;
	_ =	sdelay $0x1  }
0xc5: {  	v17 =	vld.idx.msk [tilespmem:v7+s20+$0x0], $0xffff;
	_ =	sdelay $0x2  }
0xc6: {  	v15 =	vmul.f32 v16, v15;
	_ =	sdelay $0x1  }
0xc7: {  	v15 =	vsub.f32 v17, v15;
	_ =	sdelay $0x1  }
0xc8: {  	v16 =	vld [tilespmem:$0x130];
	[tilespmem:$0x200] =	vst v15  }
0xc9: {  	v15 =	vld.idx.msk [tilespmem:v10+s31+$0x0], $0xffff;
	_ =	sdelay $0x1  }
0xca: {  	v17 =	vld.idx.msk [tilespmem:v9+s20+$0x0], $0xffff;
	_ =	sdelay $0x2  }
0xcb: {  	v15 =	vmul.f32 v16, v15;
	_ =	sdelay $0x1  }
0xcc: {  	v15 =	vsub.f32 v17, v15;
	_ =	sdelay $0x1  }
0xcd: {  	v16 =	vld [tilespmem:$0x140];
	[tilespmem:$0x210] =	vst v15  }
0xce: {  	v15 =	vld.idx.msk [tilespmem:v12+s31+$0x0], $0xffff;
	_ =	sdelay $0x1  }
0xcf: {  	v17 =	vld.idx.msk [tilespmem:v11+s20+$0x0], $0xffff;
	_ =	sdelay $0x2  }
0xd0: {  	v15 =	vmul.f32 v16, v15;
	_ =	sdelay $0x1  }
0xd1: {  	v15 =	vsub.f32 v17, v15;
	_ =	sdelay $0x1  }
0xd2: {  	v16 =	vld [tilespmem:$0x150];
	[tilespmem:$0x220] =	vst v15  }
0xd3: {  	v15 =	vld.idx.msk [tilespmem:v14+s31+$0x0], $0xffff;
	_ =	sdelay $0x1  }
0xd4: {  	v17 =	vld.idx.msk [tilespmem:v13+s20+$0x0], $0xffff;
	_ =	sdelay $0x2  }
0xd5: {  	v15 =	vmul.f32 v16, v15;
	_ =	sdelay $0x1  }
0xd6: {  	v15 =	vsub.f32 v17, v15;
	_ =	sdelay $0x1  }
0xd7: {  	[tilespmem:$0x230] =	vst v15  }
0xd8: {  	_ =	swait.ge [sflag:s21], $0x1E00  }
0xd9: {  	[sflag:s21] =	ssyncset.done $0x0  }
0xda: {  	s31 =	simm.s32 $0x0;
	[sflag:s21] =	ssyncadd.s32 $0xFFFFE200  }
0xdb: {  	v15 =	vld [tilespmem:s31+$0x240];
	_ =	sdelay $0x4  }
0xdc: {  	v16 =	vmul.f32 $9.899999610e+00, v15;
	_ =	sdelay $0x1  }
0xdd: {  	v16 =	vadd.f32 $5.050000000e+01, v16;
	_ =	sdelay $0x1  }
0xde: {  	v16 =	vmax.f32 v16, $0.0e+00  }
0xdf: {  	v17 =	vld [tilespmem:s31+$0x250];
	v16 =	vmin.f32 v16, $1.000000000e+02  }
0xe0: {  	v16 =	vtrunc.f32 v16  }
0xe1: {  	v16 =	vcvt.f32.s32 v16;
	_ =	sdelay $0x2  }
0xe2: {  	v18 =	vmul.f32 $9.899999610e+00, v17;
	_ =	sdelay $0x1  }
0xe3: {  	v18 =	vadd.f32 $5.050000000e+01, v18  }
0xe4: {  	v19 =	vld.idx.msk [tilespmem:v16+s22+$0x0], $0xffff  }
0xe5: {  	v20 =	vld.idx.msk [tilespmem:v16+s23+$0x0], $0xffff;
	v16 =	vmax.f32 v18, $0.0e+00  }
0xe6: {  	v18 =	vmin.f32 v16, $1.000000000e+02;
	v16 =	vld [tilespmem:s31+$0x260]  }
0xe7: {  	v18 =	vtrunc.f32 v18  }
0xe8: {  	v18 =	vcvt.f32.s32 v18  }
0xe9: {  	v15 =	vmul.f32 v19, v15;
	_ =	sdelay $0x1  }
0xea: {  	v19 =	vmul.f32 $9.899999610e+00, v16;
	v15 =	vadd.f32 v20, v15;
	_ =	sdelay $0x1  }
0xeb: {  	[tilespmem:s31+$0x3F50] =	vst v15;
	v15 =	vadd.f32 $5.050000000e+01, v19  }
0xec: {  	v19 =	vld.idx.msk [tilespmem:v18+s22+$0x0], $0xffff  }
0xed: {  	v18 =	vld.idx.msk [tilespmem:v18+s23+$0x0], $0xffff;
	v20 =	vmax.f32 v15, $0.0e+00  }
0xee: {  	v15 =	vld [tilespmem:s31+$0x270];
	v20 =	vmin.f32 v20, $1.000000000e+02  }
0xef: {  	v20 =	vtrunc.f32 v20  }
0xf0: {  	v20 =	vcvt.f32.s32 v20  }
0xf1: {  	v17 =	vmul.f32 v19, v17;
	_ =	sdelay $0x1  }
0xf2: {  	v19 =	vmul.f32 $9.899999610e+00, v15;
	v17 =	vadd.f32 v18, v17;
	_ =	sdelay $0x1  }
0xf3: {  	v18 =	vadd.f32 $5.050000000e+01, v19;
	[tilespmem:s31+$0x3F60] =	vst v17  }
0xf4: {  	v17 =	vld.idx.msk [tilespmem:v20+s22+$0x0], $0xffff  }
0xf5: {  	v19 =	vmax.f32 v18, $0.0e+00  }
0xf6: {  	s0 =	simm.s32 $0x40;
	s3 =	simm.s32 $0x200;
	v18 =	vld.idx.msk [tilespmem:v20+s23+$0x0], $0xffff;
	v19 =	vmin.f32 v19, $1.000000000e+02  }
.LBB2_8:
0xf7: {  	p1 =	sne.s32 s3, $0x7700;
	v20 =	vld [tilespmem:s0+$0x240];
	v19 =	vtrunc.f32 v19  }
0xf8: {  	v19 =	vcvt.f32.s32 v19  }
0xf9: {  	v16 =	vmul.f32 v17, v16;
	_ =	sdelay $0x1  }
0xfa: {  	v16 =	vadd.f32 v18, v16  }
0xfb: {  	v17 =	vmul.f32 $9.899999610e+00, v20  }
0xfc: {  	[tilespmem:s31+$0x3F70] =	vst v16  }
0xfd: {  	v16 =	vadd.f32 $5.050000000e+01, v17;
	v17 =	vld.idx.msk [tilespmem:v19+s22+$0x0], $0xffff  }
0xfe: {  	v18 =	vld.idx.msk [tilespmem:v19+s23+$0x0], $0xffff  }
0xff: {  	v16 =	vmax.f32 v16, $0.0e+00  }
0x100: {  	v16 =	vmin.f32 v16, $1.000000000e+02  }
0x101: {  	v16 =	vtrunc.f32 v16;
	v19 =	vld [tilespmem:s0+$0x250]  }
0x102: {  	v16 =	vcvt.f32.s32 v16  }
0x103: {  	v15 =	vmul.f32 v17, v15;
	_ =	sdelay $0x1  }
0x104: {  	v15 =	vadd.f32 v18, v15  }
0x105: {  	v17 =	vmul.f32 $9.899999610e+00, v19  }
0x106: {  	[tilespmem:s31+$0x3F80] =	vst v15;
	s31 =	smov.u32 s0  }
0x107: {  	v15 =	vld.idx.msk [tilespmem:v16+s22+$0x0], $0xffff;
	v17 =	vadd.f32 $5.050000000e+01, v17  }
0x108: {  	v18 =	vld.idx.msk [tilespmem:v16+s23+$0x0], $0xffff  }
0x109: {  	v16 =	vmax.f32 v17, $0.0e+00  }
0x10a: {  	v16 =	vmin.f32 v16, $1.000000000e+02  }
0x10b: {  	v17 =	vtrunc.f32 v16;
	v16 =	vld [tilespmem:s31+$0x260]  }
0x10c: {  	v17 =	vcvt.f32.s32 v17  }
0x10d: {  	v15 =	vmul.f32 v15, v20;
	_ =	sdelay $0x1  }
0x10e: {  	v15 =	vadd.f32 v18, v15  }
0x10f: {  	v18 =	vmul.f32 $9.899999610e+00, v16  }
0x110: {  	[tilespmem:s31+$0x3F50] =	vst v15  }
0x111: {  	v20 =	vld.idx.msk [tilespmem:v17+s22+$0x0], $0xffff;
	v15 =	vadd.f32 $5.050000000e+01, v18;
	_ =	sdelay $0x1  }
0x112: {  	v17 =	vld.idx.msk [tilespmem:v17+s23+$0x0], $0xffff;
	v15 =	vmax.f32 v15, $0.0e+00  }
0x113: {  	v15 =	vmin.f32 v15, $1.000000000e+02  }
0x114: {  	v18 =	vtrunc.f32 v15;
	v15 =	vld [tilespmem:s31+$0x270]  }
0x115: {  	v18 =	vcvt.f32.s32 v18  }
0x116: {  	v19 =	vmul.f32 v20, v19;
	_ =	sdelay $0x1  }
0x117: {  	v17 =	vadd.f32 v17, v19  }
0x118: {  	v19 =	vmul.f32 $9.899999610e+00, v15  }
.Ltmp3:
0x119: {  	[tilespmem:s31+$0x3F60] =	vst v17;
	(pc) =	sbr.rel @p1 .LBB2_8-.Ltmp3, $3  }
0x11a: {  	v17 =	vld.idx.msk [tilespmem:v18+s22+$0x0], $0xffff;
	v19 =	vadd.f32 $5.050000000e+01, v19;
	_ =	sdelay $0x1  }
0x11b: {  	v18 =	vld.idx.msk [tilespmem:v18+s23+$0x0], $0xffff;
	v19 =	vmax.f32 v19, $0.0e+00  }
0x11c: {  	s0 =	sshra.s32 s3, $0x2;
	s3 =	sadd.s32 $0x100, s3;
	v19 =	vmin.f32 v19, $1.000000000e+02  }
0x11d: {  	v20 =	vld [tilespmem:s0+$0x240]  }
0x11e: {  	v19 =	vtrunc.f32 v19  }
0x11f: {  	v19 =	vcvt.f32.s32 v19  }
0x120: {  	v16 =	vmul.f32 v17, v16;
	_ =	sdelay $0x1  }
0x121: {  	v16 =	vadd.f32 v18, v16;
	v17 =	vmul.f32 $9.899999610e+00, v20;
	_ =	sdelay $0x1  }
0x122: {  	[tilespmem:s31+$0x3F70] =	vst v16;
	v16 =	vadd.f32 $5.050000000e+01, v17  }
0x123: {  	v17 =	vld.idx.msk [tilespmem:v19+s22+$0x0], $0xffff  }
0x124: {  	v18 =	vld.idx.msk [tilespmem:v19+s23+$0x0], $0xffff;
	v16 =	vmax.f32 v16, $0.0e+00  }
0x125: {  	v19 =	vld [tilespmem:s0+$0x250];
	v16 =	vmin.f32 v16, $1.000000000e+02  }
0x126: {  	v16 =	vtrunc.f32 v16  }
0x127: {  	v16 =	vcvt.f32.s32 v16  }
0x128: {  	v15 =	vmul.f32 v17, v15;
	_ =	sdelay $0x1  }
0x129: {  	v17 =	vmul.f32 $9.899999610e+00, v19;
	v15 =	vadd.f32 v18, v15;
	_ =	sdelay $0x1  }
0x12a: {  	[tilespmem:s31+$0x3F80] =	vst v15;
	v15 =	vadd.f32 $5.050000000e+01, v17  }
0x12b: {  	v17 =	vld.idx.msk [tilespmem:v16+s22+$0x0], $0xffff  }
0x12c: {  	v18 =	vld [tilespmem:s0+$0x260];
	v15 =	vmax.f32 v15, $0.0e+00  }
0x12d: {  	v16 =	vld.idx.msk [tilespmem:v16+s23+$0x0], $0xffff;
	v15 =	vmin.f32 v15, $1.000000000e+02  }
0x12e: {  	v15 =	vtrunc.f32 v15  }
0x12f: {  	v15 =	vcvt.f32.s32 v15  }
0x130: {  	v17 =	vmul.f32 v17, v20;
	_ =	sdelay $0x1  }
0x131: {  	v16 =	vadd.f32 v16, v17;
	v17 =	vmul.f32 $9.899999610e+00, v18;
	_ =	sdelay $0x1  }
0x132: {  	[tilespmem:s0+$0x3F50] =	vst v16;
	v16 =	vadd.f32 $5.050000000e+01, v17  }
0x133: {  	v17 =	vld.idx.msk [tilespmem:v15+s22+$0x0], $0xffff  }
0x134: {  	v20 =	vld [tilespmem:s0+$0x270];
	v16 =	vmax.f32 v16, $0.0e+00  }
0x135: {  	v15 =	vld.idx.msk [tilespmem:v15+s23+$0x0], $0xffff;
	v16 =	vmin.f32 v16, $1.000000000e+02  }
0x136: {  	v16 =	vtrunc.f32 v16  }
0x137: {  	v16 =	vcvt.f32.s32 v16  }
0x138: {  	v17 =	vmul.f32 v17, v19;
	_ =	sdelay $0x1  }
0x139: {  	v15 =	vadd.f32 v15, v17;
	v17 =	vmul.f32 $9.899999610e+00, v20;
	_ =	sdelay $0x1  }
0x13a: {  	[tilespmem:s0+$0x3F60] =	vst v15;
	v15 =	vadd.f32 $5.050000000e+01, v17  }
0x13b: {  	v17 =	vld.idx.msk [tilespmem:v16+s22+$0x0], $0xffff  }
0x13c: {  	v15 =	vmax.f32 v15, $0.0e+00  }
0x13d: {  	v16 =	vld.idx.msk [tilespmem:v16+s23+$0x0], $0xffff;
	v15 =	vmin.f32 v15, $1.000000000e+02  }
0x13e: {  	v15 =	vtrunc.f32 v15  }
0x13f: {  	v15 =	vcvt.f32.s32 v15  }
0x140: {  	v17 =	vmul.f32 v17, v18;
	_ =	sdelay $0x1  }
0x141: {  	v16 =	vadd.f32 v16, v17;
	_ =	sdelay $0x1  }
0x142: {  	[tilespmem:s0+$0x3F70] =	vst v16  }
0x143: {  	v16 =	vld.idx.msk [tilespmem:v15+s22+$0x0], $0xffff;
	_ =	sdelay $0x1  }
0x144: {  	v15 =	vld.idx.msk [tilespmem:v15+s23+$0x0], $0xffff;
	_ =	sdelay $0x2  }
0x145: {  	v16 =	vmul.f32 v16, v20;
	_ =	sdelay $0x1  }
0x146: {  	v15 =	vadd.f32 v15, v16;
	_ =	sdelay $0x1  }
0x147: {  	s26 =	simm.s32 $0x0;
	[tilespmem:s0+$0x3F80] =	vst v15  }
0x148: {  	[hbm4b:s12+s26] =	stream.linear.scatter [tilespmem:s24], [sflag:$0x2], $0x1E00, $0x38;
	[tilespmem:$0x7C60] =	vst v63  }
0x149: {  	_ =	swait.ge [sflag:s25], $0x1E30  }
0x14a: {  	[sflag:s25] =	ssyncset.done $0x0  }
0x14b: {  	s31 =	simm.s32 $0x0;
	[sflag:s25] =	ssyncadd.s32 $0xFFFFE1D0  }
0x14c: {  	v15 =	vld [tilespmem:s31+$0x2040];
	_ =	sdelay $0x4  }
0x14d: {  	v16 =	vmul.f32 $9.899999610e+00, v15;
	_ =	sdelay $0x1  }
0x14e: {  	v16 =	vadd.f32 $5.050000000e+01, v16;
	_ =	sdelay $0x1  }
0x14f: {  	v16 =	vmax.f32 v16, $0.0e+00  }
0x150: {  	v17 =	vld [tilespmem:s31+$0x2050];
	v16 =	vmin.f32 v16, $1.000000000e+02  }
0x151: {  	v16 =	vtrunc.f32 v16  }
0x152: {  	v16 =	vcvt.f32.s32 v16;
	_ =	sdelay $0x2  }
0x153: {  	v18 =	vmul.f32 $9.899999610e+00, v17;
	_ =	sdelay $0x1  }
0x154: {  	v18 =	vadd.f32 $5.050000000e+01, v18  }
0x155: {  	v19 =	vld.idx.msk [tilespmem:v16+s22+$0x0], $0xffff  }
0x156: {  	v20 =	vld.idx.msk [tilespmem:v16+s23+$0x0], $0xffff;
	v16 =	vmax.f32 v18, $0.0e+00  }
0x157: {  	v18 =	vmin.f32 v16, $1.000000000e+02;
	v16 =	vld [tilespmem:s31+$0x2060]  }
0x158: {  	v18 =	vtrunc.f32 v18  }
0x159: {  	v18 =	vcvt.f32.s32 v18  }
0x15a: {  	v15 =	vmul.f32 v19, v15;
	_ =	sdelay $0x1  }
0x15b: {  	v19 =	vmul.f32 $9.899999610e+00, v16;
	v15 =	vadd.f32 v20, v15;
	_ =	sdelay $0x1  }
0x15c: {  	[tilespmem:s31+$0x5D50] =	vst v15;
	v15 =	vadd.f32 $5.050000000e+01, v19  }
0x15d: {  	v19 =	vld.idx.msk [tilespmem:v18+s22+$0x0], $0xffff  }
0x15e: {  	v18 =	vld.idx.msk [tilespmem:v18+s23+$0x0], $0xffff;
	v20 =	vmax.f32 v15, $0.0e+00  }
0x15f: {  	v15 =	vld [tilespmem:s31+$0x2070];
	v20 =	vmin.f32 v20, $1.000000000e+02  }
0x160: {  	v20 =	vtrunc.f32 v20  }
0x161: {  	v20 =	vcvt.f32.s32 v20  }
0x162: {  	v17 =	vmul.f32 v19, v17;
	_ =	sdelay $0x1  }
0x163: {  	v19 =	vmul.f32 $9.899999610e+00, v15;
	v17 =	vadd.f32 v18, v17;
	_ =	sdelay $0x1  }
0x164: {  	v18 =	vadd.f32 $5.050000000e+01, v19;
	[tilespmem:s31+$0x5D60] =	vst v17  }
0x165: {  	v17 =	vld.idx.msk [tilespmem:v20+s22+$0x0], $0xffff  }
0x166: {  	v19 =	vmax.f32 v18, $0.0e+00  }
0x167: {  	s3 =	simm.s32 $0x200;
	s0 =	simm.s32 $0x40;
	v18 =	vld.idx.msk [tilespmem:v20+s23+$0x0], $0xffff;
	v19 =	vmin.f32 v19, $1.000000000e+02  }
.LBB2_10:
0x168: {  	p1 =	sne.s32 s3, $0x7700;
	v20 =	vld [tilespmem:s0+$0x2040];
	v19 =	vtrunc.f32 v19  }
0x169: {  	v19 =	vcvt.f32.s32 v19  }
0x16a: {  	v16 =	vmul.f32 v17, v16;
	_ =	sdelay $0x1  }
0x16b: {  	v16 =	vadd.f32 v18, v16  }
0x16c: {  	v17 =	vmul.f32 $9.899999610e+00, v20  }
0x16d: {  	[tilespmem:s31+$0x5D70] =	vst v16  }
0x16e: {  	v16 =	vadd.f32 $5.050000000e+01, v17;
	v17 =	vld.idx.msk [tilespmem:v19+s22+$0x0], $0xffff  }
0x16f: {  	v18 =	vld.idx.msk [tilespmem:v19+s23+$0x0], $0xffff  }
0x170: {  	v16 =	vmax.f32 v16, $0.0e+00  }
0x171: {  	v16 =	vmin.f32 v16, $1.000000000e+02  }
0x172: {  	v16 =	vtrunc.f32 v16;
	v19 =	vld [tilespmem:s0+$0x2050]  }
0x173: {  	v16 =	vcvt.f32.s32 v16  }
0x174: {  	v15 =	vmul.f32 v17, v15;
	_ =	sdelay $0x1  }
0x175: {  	v15 =	vadd.f32 v18, v15  }
0x176: {  	v17 =	vmul.f32 $9.899999610e+00, v19  }
0x177: {  	[tilespmem:s31+$0x5D80] =	vst v15;
	s31 =	smov.u32 s0  }
0x178: {  	v15 =	vld.idx.msk [tilespmem:v16+s22+$0x0], $0xffff;
	v17 =	vadd.f32 $5.050000000e+01, v17  }
0x179: {  	v18 =	vld.idx.msk [tilespmem:v16+s23+$0x0], $0xffff  }
0x17a: {  	v16 =	vmax.f32 v17, $0.0e+00  }
0x17b: {  	v16 =	vmin.f32 v16, $1.000000000e+02  }
0x17c: {  	v17 =	vtrunc.f32 v16;
	v16 =	vld [tilespmem:s31+$0x2060]  }
0x17d: {  	v17 =	vcvt.f32.s32 v17  }
0x17e: {  	v15 =	vmul.f32 v15, v20;
	_ =	sdelay $0x1  }
0x17f: {  	v15 =	vadd.f32 v18, v15  }
0x180: {  	v18 =	vmul.f32 $9.899999610e+00, v16  }
0x181: {  	[tilespmem:s31+$0x5D50] =	vst v15  }
0x182: {  	v20 =	vld.idx.msk [tilespmem:v17+s22+$0x0], $0xffff;
	v15 =	vadd.f32 $5.050000000e+01, v18;
	_ =	sdelay $0x1  }
0x183: {  	v17 =	vld.idx.msk [tilespmem:v17+s23+$0x0], $0xffff;
	v15 =	vmax.f32 v15, $0.0e+00  }
0x184: {  	v15 =	vmin.f32 v15, $1.000000000e+02  }
0x185: {  	v18 =	vtrunc.f32 v15;
	v15 =	vld [tilespmem:s31+$0x2070]  }
0x186: {  	v18 =	vcvt.f32.s32 v18  }
0x187: {  	v19 =	vmul.f32 v20, v19;
	_ =	sdelay $0x1  }
0x188: {  	v17 =	vadd.f32 v17, v19  }
0x189: {  	v19 =	vmul.f32 $9.899999610e+00, v15  }
.Ltmp4:
0x18a: {  	[tilespmem:s31+$0x5D60] =	vst v17;
	(pc) =	sbr.rel @p1 .LBB2_10-.Ltmp4, $3  }
0x18b: {  	v17 =	vld.idx.msk [tilespmem:v18+s22+$0x0], $0xffff;
	v19 =	vadd.f32 $5.050000000e+01, v19;
	_ =	sdelay $0x1  }
0x18c: {  	v18 =	vld.idx.msk [tilespmem:v18+s23+$0x0], $0xffff;
	v19 =	vmax.f32 v19, $0.0e+00  }
0x18d: {  	s0 =	sshra.s32 s3, $0x2;
	s3 =	sadd.s32 $0x100, s3;
	v19 =	vmin.f32 v19, $1.000000000e+02  }
.Ltmp5:
0x18e: {  	_ = 	snop;
	(pc) =	sbr.rel .LBB2_11-.Ltmp5, $1  }
0x18f: {  	_ =	sdelay $0x3  }
.LBB2_2:
0x190: {  	[tilespmem:s17], [sflag:$0x2] =	stream.linear.gather [hbm4b:s6+s31], $0x1E80, $0x38;
	[tilespmem:$0x7C60] =	vst v63  }
0x191: {  	_ = 	snop  }
0x192: {  	[tilespmem:s28], [sflag:$0x3] =	stream.linear.gather [hbm4b:s7+s31], $0x1E90, $0x38;
	[tilespmem:$0x7C60] =	vst v63  }
0x193: {  	_ =	swait.ge [sflag:s19], $0x65  }
0x194: {  	[sflag:s19] =	ssyncset.done $0x0  }
0x195: {  	[sflag:s19] =	ssyncadd.s32 $0xFFFFFF9B  }
0x196: {  	_ =	swait.ge [sflag:s19], $0x64  }
0x197: {  	[sflag:s19] =	ssyncset.done $0x0  }
0x198: {  	[sflag:s19] =	ssyncadd.s32 $0xFFFFFF9C  }
0x199: {  	_ =	swait.ge [sflag:s19], $0x1  }
0x19a: {  	[sflag:s19] =	ssyncset.done $0x0  }
0x19b: {  	[sflag:s19] =	ssyncadd.s32 $0xFFFFFFFF  }
0x19c: {  	v15 =	vld [tilespmem:$0x0]  }
0x19d: {  	v16 =	vld [tilespmem:$0x10];
	_ =	sdelay $0x1  }
0x19e: {  	v17 =	vld [tilespmem:$0x20]  }
0x19f: {  	v18 =	vld [tilespmem:$0x30]  }
0x1a0: {  	v15 =	vmul.f32 $1.442695020e+00, v15  }
0x1a1: {  	v16 =	vmul.f32 $1.442695020e+00, v16  }
0x1a2: {  	(erf) = vpow2.f32 v15;
	v15 =	vld [tilespmem:$0x40]  }
0x1a3: {  	(erf) = vpow2.f32 v16  }
0x1a4: {  	v16 =	vmul.f32 $1.442695020e+00, v17;
	v17 =	vmul.f32 $1.442695020e+00, v18;
	v18 =	vld [tilespmem:$0x50];
	_ =	sdelay $0x1  }
0x1a5: {  	(erf) = vpow2.f32 v16  }
0x1a6: {  	v15 =	vmul.f32 $1.442695020e+00, v15  }
0x1a7: {  	(erf) = vpow2.f32 v17  }
0x1a8: {  	(erf) = vpow2.f32 v15;
	v15 =	vmul.f32 $1.442695020e+00, v18;
	_ =	sdelay $0x2  }
0x1a9: {  	v16 =	vpop (erf)  }
0x1aa: {  	(erf) = vpow2.f32 v15;
	v15 =	vpop (erf)  }
0x1ab: {  	v15 =	vadd.f32 $1.000000050e-03, v15  }
0x1ac: {  	v17 =	vpop (erf)  }
0x1ad: {  	[tilespmem:$0x100] =	vst v15;
	v15 =	vadd.f32 $1.000000050e-03, v17  }
0x1ae: {  	v18 =	vpop (erf)  }
0x1af: {  	v16 =	vadd.f32 $1.000000050e-03, v16;
	v17 =	vadd.f32 $1.000000050e-03, v18;
	v18 =	vld [tilespmem:$0x100]  }
0x1b0: {  	[tilespmem:$0x110] =	vst v15  }
0x1b1: {  	[tilespmem:$0x120] =	vst v17;
	v17 =	vmul.f32 $1.010100990e-01, v16;
	v19 =	vld [tilespmem:$0x110];
	v15 =	vpop (erf)  }
0x1b2: {  	vm1 =	veq.s32 v0, $0x0;
	v61 =	vld [tilespmem:$0x60];
	v15 =	vadd.f32 $1.000000050e-03, v15  }
0x1b3: {  	v20 =	vld [tilespmem:$0x120];
	v17 =	vsel vm1, $0x0, v17;
	v21 =	vpop (erf)  }
0x1b4: {  	(xrf2) =	vadd.scan.msk.f32 $0xffff, v17;
	v17 =	vmul.f32 $1.010100990e-01, v18;
	[tilespmem:$0x130] =	vst v15;
	v15 =	vadd.f32 $1.000000050e-03, v21  }
0x1b5: {  	v18 =	vld [tilespmem:$0x130]  }
0x1b6: {  	(xrf2) =	vadd.scan.msk.f32 $0xffff, v17;
	[tilespmem:$0x140] =	vst v15;
	v15 =	vmul.f32 $1.010100990e-01, v19  }
0x1b7: {  	v19 =	vld [tilespmem:$0x140]  }
0x1b8: {  	v17 =	vmul.f32 $1.010100990e-01, v20;
	v20 =	vmul.f32 $1.442695020e+00, v61;
	(xrf2) =	vadd.scan.msk.f32 $0xffff, v15  }
0x1b9: {  	v15 =	vld [tilespmem:$0xE0]  }
0x1ba: {  	(erf) = vpow2.f32 v20;
	(xrf2) =	vadd.scan.msk.f32 $0xffff, v17;
	v17 =	vmul.f32 $1.010100990e-01, v18;
	_ =	sdelay $0x1  }
0x1bb: {  	(xrf2) =	vadd.scan.msk.f32 $0xffff, v17;
	v17 =	vmul.f32 $1.010100990e-01, v19;
	_ =	sdelay $0x1  }
0x1bc: {  	v18, _, _ =	vpop (xrf2);
	(v2sf) =	vpush v15, $0x0;
	(xrf2) =	vadd.scan.msk.f32 $0xffff, v17  }
0x1bd: {  	(v2sf) =	vpush v18, $0xF  }
0x1be: {  	v17, _, _ =	vpop (xrf2)  }
0x1bf: {  	(v2sf) =	vpush v17, $0xF  }
0x1c0: {  	v19, _, _ =	vpop (xrf2)  }
0x1c1: {  	v62 =	vpop (erf);
	(v2sf) =	vpush v19, $0xF  }
0x1c2: {  	v20, _, _ =	vpop (xrf2)  }
0x1c3: {  	v21 =	vadd.f32 $1.000000050e-03, v62;
	(v2sf) =	vpush v20, $0xF  }
0x1c4: {  	v22, _, _ =	vpop (xrf2)  }
0x1c5: {  	[tilespmem:$0x150] =	vst v21;
	(v2sf) =	vpush v22, $0xF  }
0x1c6: {  	v23 =	vld [tilespmem:$0x150];
	v63, _, _ =	vpop (xrf2)  }
0x1c7: {  	(v2sf) =	vpush v63, $0xF;
	_ =	sdelay $0x3  }
0x1c8: {  	v23 =	vmul.f32 $1.010100990e-01, v23;
	s0 =	spop (v2sf)  }
0x1c9: {  	s3 =	spop (v2sf)  }
0x1ca: {  	v23 =	vnsel vm0, $0x0, v23;
	s0 =	sadd.f32 s3, s0  }
0x1cb: {  	(xrf2) =	vadd.scan.msk.f32 $0xffff, v23;
	s26 =	spop (v2sf)  }
0x1cc: {  	s3 =	sadd.f32 s26, s0  }
0x1cd: {  	s18 =	spop (v2sf)  }
0x1ce: {  	v15 =	vbroadcast v15, $0x0;
	s18 =	sadd.f32 s18, s3  }
0x1cf: {  	s26 =	spop (v2sf)  }
0x1d0: {  	v15 =	vadd.f32 v18, v15;
	s26 =	sadd.f32 s26, s18  }
0x1d1: {  	[tilespmem:$0xF0] =	vst v16;
	v16 =	vadd.f32 s0, v17;
	v17 =	vadd.f32 s3, v19;
	s0 =	spop (v2sf)  }
0x1d2: {  	[tilespmem:$0x160] =	vst v15;
	s0 =	sadd.f32 s0, s26  }
0x1d3: {  	[tilespmem:$0x170] =	vst v16;
	v15 =	vadd.f32 s18, v20;
	s18 =	spop (v2sf)  }
0x1d4: {  	[tilespmem:$0x180] =	vst v17;
	v16 =	vadd.f32 s26, v22;
	s3 =	sadd.f32 s18, s0  }
0x1d5: {  	[tilespmem:$0x190] =	vst v15;
	v17, _, _ =	vpop (xrf2);
	v15 =	vadd.f32 s0, v63  }
0x1d6: {  	[tilespmem:$0x1A0] =	vst v16;
	v16 =	vadd.f32 s3, v17  }
0x1d7: {  	[tilespmem:$0x1B0] =	vst v15  }
0x1d8: {  	[tilespmem:$0x1C0] =	vst v16;
	v16 =	vld [tilespmem:$0xF0]  }
0x1d9: {  	v15 =	vld.idx.msk [tilespmem:v2+s31+$0x0], $0xffff;
	_ =	sdelay $0x1  }
0x1da: {  	v17 =	vld.idx.msk [tilespmem:v1+s20+$0x0], $0xffff;
	_ =	sdelay $0x2  }
0x1db: {  	v15 =	vmul.f32 v16, v15;
	_ =	sdelay $0x1  }
0x1dc: {  	v15 =	vsub.f32 v17, v15;
	_ =	sdelay $0x1  }
0x1dd: {  	v16 =	vld [tilespmem:$0x100];
	[tilespmem:$0x1D0] =	vst v15  }
0x1de: {  	v15 =	vld.idx.msk [tilespmem:v4+s31+$0x0], $0xffff;
	_ =	sdelay $0x1  }
0x1df: {  	v17 =	vld.idx.msk [tilespmem:v3+s20+$0x0], $0xffff;
	_ =	sdelay $0x2  }
0x1e0: {  	v15 =	vmul.f32 v16, v15;
	_ =	sdelay $0x1  }
0x1e1: {  	v15 =	vsub.f32 v17, v15;
	_ =	sdelay $0x1  }
0x1e2: {  	v16 =	vld [tilespmem:$0x110];
	[tilespmem:$0x1E0] =	vst v15  }
0x1e3: {  	v15 =	vld.idx.msk [tilespmem:v6+s31+$0x0], $0xffff;
	_ =	sdelay $0x1  }
0x1e4: {  	v17 =	vld.idx.msk [tilespmem:v5+s20+$0x0], $0xffff;
	_ =	sdelay $0x2  }
0x1e5: {  	v15 =	vmul.f32 v16, v15;
	_ =	sdelay $0x1  }
0x1e6: {  	v15 =	vsub.f32 v17, v15;
	_ =	sdelay $0x1  }
0x1e7: {  	v16 =	vld [tilespmem:$0x120];
	[tilespmem:$0x1F0] =	vst v15  }
0x1e8: {  	v15 =	vld.idx.msk [tilespmem:v8+s31+$0x0], $0xffff;
	_ =	sdelay $0x1  }
0x1e9: {  	v17 =	vld.idx.msk [tilespmem:v7+s20+$0x0], $0xffff;
	_ =	sdelay $0x2  }
0x1ea: {  	v15 =	vmul.f32 v16, v15;
	_ =	sdelay $0x1  }
0x1eb: {  	v15 =	vsub.f32 v17, v15;
	_ =	sdelay $0x1  }
0x1ec: {  	v16 =	vld [tilespmem:$0x130];
	[tilespmem:$0x200] =	vst v15  }
0x1ed: {  	v15 =	vld.idx.msk [tilespmem:v10+s31+$0x0], $0xffff;
	_ =	sdelay $0x1  }
0x1ee: {  	v17 =	vld.idx.msk [tilespmem:v9+s20+$0x0], $0xffff;
	_ =	sdelay $0x2  }
0x1ef: {  	v15 =	vmul.f32 v16, v15;
	_ =	sdelay $0x1  }
0x1f0: {  	v15 =	vsub.f32 v17, v15;
	_ =	sdelay $0x1  }
0x1f1: {  	v16 =	vld [tilespmem:$0x140];
	[tilespmem:$0x210] =	vst v15  }
0x1f2: {  	v15 =	vld.idx.msk [tilespmem:v12+s31+$0x0], $0xffff;
	_ =	sdelay $0x1  }
0x1f3: {  	v17 =	vld.idx.msk [tilespmem:v11+s20+$0x0], $0xffff;
	_ =	sdelay $0x2  }
0x1f4: {  	v15 =	vmul.f32 v16, v15;
	_ =	sdelay $0x1  }
0x1f5: {  	v15 =	vsub.f32 v17, v15;
	_ =	sdelay $0x1  }
0x1f6: {  	v16 =	vld [tilespmem:$0x150];
	[tilespmem:$0x220] =	vst v15  }
0x1f7: {  	v15 =	vld.idx.msk [tilespmem:v14+s31+$0x0], $0xffff;
	_ =	sdelay $0x1  }
0x1f8: {  	v17 =	vld.idx.msk [tilespmem:v13+s20+$0x0], $0xffff;
	_ =	sdelay $0x2  }
0x1f9: {  	v15 =	vmul.f32 v16, v15;
	_ =	sdelay $0x1  }
0x1fa: {  	v15 =	vsub.f32 v17, v15;
	_ =	sdelay $0x1  }
0x1fb: {  	[tilespmem:$0x230] =	vst v15  }
0x1fc: {  	_ =	swait.ge [sflag:s21], $0x1E80  }
0x1fd: {  	[sflag:s21] =	ssyncset.done $0x0  }
0x1fe: {  	s31 =	simm.s32 $0x0;
	[sflag:s21] =	ssyncadd.s32 $0xFFFFE180  }
0x1ff: {  	v15 =	vld [tilespmem:s31+$0x240];
	_ =	sdelay $0x4  }
0x200: {  	v16 =	vmul.f32 $9.899999610e+00, v15;
	_ =	sdelay $0x1  }
0x201: {  	v16 =	vadd.f32 $5.050000000e+01, v16;
	_ =	sdelay $0x1  }
0x202: {  	v16 =	vmax.f32 v16, $0.0e+00  }
0x203: {  	v17 =	vld [tilespmem:s31+$0x250];
	v16 =	vmin.f32 v16, $1.000000000e+02  }
0x204: {  	v16 =	vtrunc.f32 v16  }
0x205: {  	v16 =	vcvt.f32.s32 v16;
	_ =	sdelay $0x2  }
0x206: {  	v18 =	vmul.f32 $9.899999610e+00, v17;
	_ =	sdelay $0x1  }
0x207: {  	v18 =	vadd.f32 $5.050000000e+01, v18  }
0x208: {  	v19 =	vld.idx.msk [tilespmem:v16+s22+$0x0], $0xffff  }
0x209: {  	v20 =	vld.idx.msk [tilespmem:v16+s23+$0x0], $0xffff;
	v16 =	vmax.f32 v18, $0.0e+00  }
0x20a: {  	v18 =	vmin.f32 v16, $1.000000000e+02;
	v16 =	vld [tilespmem:s31+$0x260]  }
0x20b: {  	v18 =	vtrunc.f32 v18  }
0x20c: {  	v18 =	vcvt.f32.s32 v18  }
0x20d: {  	v15 =	vmul.f32 v19, v15;
	_ =	sdelay $0x1  }
0x20e: {  	v19 =	vmul.f32 $9.899999610e+00, v16;
	v15 =	vadd.f32 v20, v15;
	_ =	sdelay $0x1  }
0x20f: {  	[tilespmem:s31+$0x3F50] =	vst v15;
	v15 =	vadd.f32 $5.050000000e+01, v19  }
0x210: {  	v19 =	vld.idx.msk [tilespmem:v18+s22+$0x0], $0xffff  }
0x211: {  	v18 =	vld.idx.msk [tilespmem:v18+s23+$0x0], $0xffff;
	v20 =	vmax.f32 v15, $0.0e+00  }
0x212: {  	v15 =	vld [tilespmem:s31+$0x270];
	v20 =	vmin.f32 v20, $1.000000000e+02  }
0x213: {  	v20 =	vtrunc.f32 v20  }
0x214: {  	v20 =	vcvt.f32.s32 v20  }
0x215: {  	v17 =	vmul.f32 v19, v17;
	_ =	sdelay $0x1  }
0x216: {  	v19 =	vmul.f32 $9.899999610e+00, v15;
	v17 =	vadd.f32 v18, v17;
	_ =	sdelay $0x1  }
0x217: {  	v18 =	vadd.f32 $5.050000000e+01, v19;
	[tilespmem:s31+$0x3F60] =	vst v17  }
0x218: {  	v17 =	vld.idx.msk [tilespmem:v20+s22+$0x0], $0xffff  }
0x219: {  	v19 =	vmax.f32 v18, $0.0e+00  }
0x21a: {  	s0 =	simm.s32 $0x40;
	s3 =	simm.s32 $0x200;
	v18 =	vld.idx.msk [tilespmem:v20+s23+$0x0], $0xffff;
	v19 =	vmin.f32 v19, $1.000000000e+02  }
.LBB2_3:
0x21b: {  	p1 =	sne.s32 s3, $0x7900;
	v20 =	vld [tilespmem:s0+$0x240];
	v19 =	vtrunc.f32 v19  }
0x21c: {  	v19 =	vcvt.f32.s32 v19  }
0x21d: {  	v16 =	vmul.f32 v17, v16;
	_ =	sdelay $0x1  }
0x21e: {  	v16 =	vadd.f32 v18, v16  }
0x21f: {  	v17 =	vmul.f32 $9.899999610e+00, v20  }
0x220: {  	[tilespmem:s31+$0x3F70] =	vst v16  }
0x221: {  	v16 =	vadd.f32 $5.050000000e+01, v17;
	v17 =	vld.idx.msk [tilespmem:v19+s22+$0x0], $0xffff  }
0x222: {  	v18 =	vld.idx.msk [tilespmem:v19+s23+$0x0], $0xffff  }
0x223: {  	v16 =	vmax.f32 v16, $0.0e+00  }
0x224: {  	v16 =	vmin.f32 v16, $1.000000000e+02  }
0x225: {  	v16 =	vtrunc.f32 v16;
	v19 =	vld [tilespmem:s0+$0x250]  }
0x226: {  	v16 =	vcvt.f32.s32 v16  }
0x227: {  	v15 =	vmul.f32 v17, v15;
	_ =	sdelay $0x1  }
0x228: {  	v15 =	vadd.f32 v18, v15  }
0x229: {  	v17 =	vmul.f32 $9.899999610e+00, v19  }
0x22a: {  	[tilespmem:s31+$0x3F80] =	vst v15;
	s31 =	smov.u32 s0  }
0x22b: {  	v15 =	vld.idx.msk [tilespmem:v16+s22+$0x0], $0xffff;
	v17 =	vadd.f32 $5.050000000e+01, v17  }
0x22c: {  	v18 =	vld.idx.msk [tilespmem:v16+s23+$0x0], $0xffff  }
0x22d: {  	v16 =	vmax.f32 v17, $0.0e+00  }
0x22e: {  	v16 =	vmin.f32 v16, $1.000000000e+02  }
0x22f: {  	v17 =	vtrunc.f32 v16;
	v16 =	vld [tilespmem:s31+$0x260]  }
0x230: {  	v17 =	vcvt.f32.s32 v17  }
0x231: {  	v15 =	vmul.f32 v15, v20;
	_ =	sdelay $0x1  }
0x232: {  	v15 =	vadd.f32 v18, v15  }
0x233: {  	v18 =	vmul.f32 $9.899999610e+00, v16  }
0x234: {  	[tilespmem:s31+$0x3F50] =	vst v15  }
0x235: {  	v20 =	vld.idx.msk [tilespmem:v17+s22+$0x0], $0xffff;
	v15 =	vadd.f32 $5.050000000e+01, v18;
	_ =	sdelay $0x1  }
0x236: {  	v17 =	vld.idx.msk [tilespmem:v17+s23+$0x0], $0xffff;
	v15 =	vmax.f32 v15, $0.0e+00  }
0x237: {  	v15 =	vmin.f32 v15, $1.000000000e+02  }
0x238: {  	v18 =	vtrunc.f32 v15;
	v15 =	vld [tilespmem:s31+$0x270]  }
0x239: {  	v18 =	vcvt.f32.s32 v18  }
0x23a: {  	v19 =	vmul.f32 v20, v19;
	_ =	sdelay $0x1  }
0x23b: {  	v17 =	vadd.f32 v17, v19  }
0x23c: {  	v19 =	vmul.f32 $9.899999610e+00, v15  }
.Ltmp6:
0x23d: {  	[tilespmem:s31+$0x3F60] =	vst v17;
	(pc) =	sbr.rel @p1 .LBB2_3-.Ltmp6, $3  }
0x23e: {  	v17 =	vld.idx.msk [tilespmem:v18+s22+$0x0], $0xffff;
	v19 =	vadd.f32 $5.050000000e+01, v19;
	_ =	sdelay $0x1  }
0x23f: {  	v18 =	vld.idx.msk [tilespmem:v18+s23+$0x0], $0xffff;
	v19 =	vmax.f32 v19, $0.0e+00  }
0x240: {  	s0 =	sshra.s32 s3, $0x2;
	s3 =	sadd.s32 $0x100, s3;
	v19 =	vmin.f32 v19, $1.000000000e+02  }
0x241: {  	v20 =	vld [tilespmem:s0+$0x240]  }
0x242: {  	v19 =	vtrunc.f32 v19  }
0x243: {  	v19 =	vcvt.f32.s32 v19  }
0x244: {  	v16 =	vmul.f32 v17, v16;
	_ =	sdelay $0x1  }
0x245: {  	v16 =	vadd.f32 v18, v16;
	v17 =	vmul.f32 $9.899999610e+00, v20;
	_ =	sdelay $0x1  }
0x246: {  	[tilespmem:s31+$0x3F70] =	vst v16;
	v16 =	vadd.f32 $5.050000000e+01, v17  }
0x247: {  	v17 =	vld.idx.msk [tilespmem:v19+s22+$0x0], $0xffff  }
0x248: {  	v18 =	vld.idx.msk [tilespmem:v19+s23+$0x0], $0xffff;
	v16 =	vmax.f32 v16, $0.0e+00  }
0x249: {  	v19 =	vld [tilespmem:s0+$0x250];
	v16 =	vmin.f32 v16, $1.000000000e+02  }
0x24a: {  	v16 =	vtrunc.f32 v16  }
0x24b: {  	v16 =	vcvt.f32.s32 v16  }
0x24c: {  	v15 =	vmul.f32 v17, v15;
	_ =	sdelay $0x1  }
0x24d: {  	v17 =	vmul.f32 $9.899999610e+00, v19;
	v15 =	vadd.f32 v18, v15;
	_ =	sdelay $0x1  }
0x24e: {  	[tilespmem:s31+$0x3F80] =	vst v15;
	v15 =	vadd.f32 $5.050000000e+01, v17  }
0x24f: {  	v17 =	vld.idx.msk [tilespmem:v16+s22+$0x0], $0xffff  }
0x250: {  	v18 =	vld [tilespmem:s0+$0x260];
	v15 =	vmax.f32 v15, $0.0e+00  }
0x251: {  	v16 =	vld.idx.msk [tilespmem:v16+s23+$0x0], $0xffff;
	v15 =	vmin.f32 v15, $1.000000000e+02  }
0x252: {  	v15 =	vtrunc.f32 v15  }
0x253: {  	v15 =	vcvt.f32.s32 v15  }
0x254: {  	v17 =	vmul.f32 v17, v20;
	_ =	sdelay $0x1  }
0x255: {  	v16 =	vadd.f32 v16, v17;
	v17 =	vmul.f32 $9.899999610e+00, v18;
	_ =	sdelay $0x1  }
0x256: {  	[tilespmem:s0+$0x3F50] =	vst v16;
	v16 =	vadd.f32 $5.050000000e+01, v17  }
0x257: {  	v17 =	vld.idx.msk [tilespmem:v15+s22+$0x0], $0xffff  }
0x258: {  	v20 =	vld [tilespmem:s0+$0x270];
	v16 =	vmax.f32 v16, $0.0e+00  }
0x259: {  	v15 =	vld.idx.msk [tilespmem:v15+s23+$0x0], $0xffff;
	v16 =	vmin.f32 v16, $1.000000000e+02  }
0x25a: {  	v16 =	vtrunc.f32 v16  }
0x25b: {  	v16 =	vcvt.f32.s32 v16  }
0x25c: {  	v17 =	vmul.f32 v17, v19;
	_ =	sdelay $0x1  }
0x25d: {  	v15 =	vadd.f32 v15, v17;
	v17 =	vmul.f32 $9.899999610e+00, v20;
	_ =	sdelay $0x1  }
0x25e: {  	[tilespmem:s0+$0x3F60] =	vst v15;
	v15 =	vadd.f32 $5.050000000e+01, v17  }
0x25f: {  	v17 =	vld.idx.msk [tilespmem:v16+s22+$0x0], $0xffff  }
0x260: {  	v15 =	vmax.f32 v15, $0.0e+00  }
0x261: {  	v16 =	vld.idx.msk [tilespmem:v16+s23+$0x0], $0xffff;
	v15 =	vmin.f32 v15, $1.000000000e+02  }
0x262: {  	v15 =	vtrunc.f32 v15  }
0x263: {  	v15 =	vcvt.f32.s32 v15  }
0x264: {  	v17 =	vmul.f32 v17, v18;
	_ =	sdelay $0x1  }
0x265: {  	v16 =	vadd.f32 v16, v17;
	_ =	sdelay $0x1  }
0x266: {  	[tilespmem:s0+$0x3F70] =	vst v16  }
0x267: {  	v16 =	vld.idx.msk [tilespmem:v15+s22+$0x0], $0xffff;
	_ =	sdelay $0x1  }
0x268: {  	v15 =	vld.idx.msk [tilespmem:v15+s23+$0x0], $0xffff;
	_ =	sdelay $0x2  }
0x269: {  	v16 =	vmul.f32 v16, v20;
	_ =	sdelay $0x1  }
0x26a: {  	v15 =	vadd.f32 v15, v16;
	_ =	sdelay $0x1  }
0x26b: {  	s26 =	simm.s32 $0x0;
	[tilespmem:s0+$0x3F80] =	vst v15  }
0x26c: {  	[hbm4b:s8+s26] =	stream.linear.scatter [tilespmem:s24], [sflag:$0x2], $0x1E80, $0x38;
	[tilespmem:$0x7C60] =	vst v63  }
0x26d: {  	_ =	swait.ge [sflag:s25], $0x1E90  }
0x26e: {  	[sflag:s25] =	ssyncset.done $0x0  }
0x26f: {  	s31 =	simm.s32 $0x0;
	[sflag:s25] =	ssyncadd.s32 $0xFFFFE170  }
0x270: {  	v15 =	vld [tilespmem:s31+$0x20C0];
	_ =	sdelay $0x4  }
0x271: {  	v16 =	vmul.f32 $9.899999610e+00, v15;
	_ =	sdelay $0x1  }
0x272: {  	v16 =	vadd.f32 $5.050000000e+01, v16;
	_ =	sdelay $0x1  }
0x273: {  	v16 =	vmax.f32 v16, $0.0e+00  }
0x274: {  	v17 =	vld [tilespmem:s31+$0x20D0];
	v16 =	vmin.f32 v16, $1.000000000e+02  }
0x275: {  	v16 =	vtrunc.f32 v16  }
0x276: {  	v16 =	vcvt.f32.s32 v16;
	_ =	sdelay $0x2  }
0x277: {  	v18 =	vmul.f32 $9.899999610e+00, v17;
	_ =	sdelay $0x1  }
0x278: {  	v18 =	vadd.f32 $5.050000000e+01, v18  }
0x279: {  	v19 =	vld.idx.msk [tilespmem:v16+s22+$0x0], $0xffff  }
0x27a: {  	v20 =	vld.idx.msk [tilespmem:v16+s23+$0x0], $0xffff;
	v16 =	vmax.f32 v18, $0.0e+00  }
0x27b: {  	v18 =	vmin.f32 v16, $1.000000000e+02;
	v16 =	vld [tilespmem:s31+$0x20E0]  }
0x27c: {  	v18 =	vtrunc.f32 v18  }
0x27d: {  	v18 =	vcvt.f32.s32 v18  }
0x27e: {  	v15 =	vmul.f32 v19, v15;
	_ =	sdelay $0x1  }
0x27f: {  	v19 =	vmul.f32 $9.899999610e+00, v16;
	v15 =	vadd.f32 v20, v15;
	_ =	sdelay $0x1  }
0x280: {  	[tilespmem:s31+$0x5DD0] =	vst v15;
	v15 =	vadd.f32 $5.050000000e+01, v19  }
0x281: {  	v19 =	vld.idx.msk [tilespmem:v18+s22+$0x0], $0xffff  }
0x282: {  	v18 =	vld.idx.msk [tilespmem:v18+s23+$0x0], $0xffff;
	v20 =	vmax.f32 v15, $0.0e+00  }
0x283: {  	v15 =	vld [tilespmem:s31+$0x20F0];
	v20 =	vmin.f32 v20, $1.000000000e+02  }
0x284: {  	v20 =	vtrunc.f32 v20  }
0x285: {  	v20 =	vcvt.f32.s32 v20  }
0x286: {  	v17 =	vmul.f32 v19, v17;
	_ =	sdelay $0x1  }
0x287: {  	v19 =	vmul.f32 $9.899999610e+00, v15;
	v17 =	vadd.f32 v18, v17;
	_ =	sdelay $0x1  }
0x288: {  	v18 =	vadd.f32 $5.050000000e+01, v19;
	[tilespmem:s31+$0x5DE0] =	vst v17  }
0x289: {  	v17 =	vld.idx.msk [tilespmem:v20+s22+$0x0], $0xffff  }
0x28a: {  	v19 =	vmax.f32 v18, $0.0e+00  }
0x28b: {  	s3 =	simm.s32 $0x200;
	s0 =	simm.s32 $0x40;
	v18 =	vld.idx.msk [tilespmem:v20+s23+$0x0], $0xffff;
	v19 =	vmin.f32 v19, $1.000000000e+02  }
.LBB2_5:
0x28c: {  	p1 =	sne.s32 s3, $0x7900;
	v20 =	vld [tilespmem:s0+$0x20C0];
	v19 =	vtrunc.f32 v19  }
0x28d: {  	v19 =	vcvt.f32.s32 v19  }
0x28e: {  	v16 =	vmul.f32 v17, v16;
	_ =	sdelay $0x1  }
0x28f: {  	v16 =	vadd.f32 v18, v16  }
0x290: {  	v17 =	vmul.f32 $9.899999610e+00, v20  }
0x291: {  	[tilespmem:s31+$0x5DF0] =	vst v16  }
0x292: {  	v16 =	vadd.f32 $5.050000000e+01, v17;
	v17 =	vld.idx.msk [tilespmem:v19+s22+$0x0], $0xffff  }
0x293: {  	v18 =	vld.idx.msk [tilespmem:v19+s23+$0x0], $0xffff  }
0x294: {  	v16 =	vmax.f32 v16, $0.0e+00  }
0x295: {  	v16 =	vmin.f32 v16, $1.000000000e+02  }
0x296: {  	v16 =	vtrunc.f32 v16;
	v19 =	vld [tilespmem:s0+$0x20D0]  }
0x297: {  	v16 =	vcvt.f32.s32 v16  }
0x298: {  	v15 =	vmul.f32 v17, v15;
	_ =	sdelay $0x1  }
0x299: {  	v15 =	vadd.f32 v18, v15  }
0x29a: {  	v17 =	vmul.f32 $9.899999610e+00, v19  }
0x29b: {  	[tilespmem:s31+$0x5E00] =	vst v15;
	s31 =	smov.u32 s0  }
0x29c: {  	v15 =	vld.idx.msk [tilespmem:v16+s22+$0x0], $0xffff;
	v17 =	vadd.f32 $5.050000000e+01, v17  }
0x29d: {  	v18 =	vld.idx.msk [tilespmem:v16+s23+$0x0], $0xffff  }
0x29e: {  	v16 =	vmax.f32 v17, $0.0e+00  }
0x29f: {  	v16 =	vmin.f32 v16, $1.000000000e+02  }
0x2a0: {  	v17 =	vtrunc.f32 v16;
	v16 =	vld [tilespmem:s31+$0x20E0]  }
0x2a1: {  	v17 =	vcvt.f32.s32 v17  }
0x2a2: {  	v15 =	vmul.f32 v15, v20;
	_ =	sdelay $0x1  }
0x2a3: {  	v15 =	vadd.f32 v18, v15  }
0x2a4: {  	v18 =	vmul.f32 $9.899999610e+00, v16  }
0x2a5: {  	[tilespmem:s31+$0x5DD0] =	vst v15  }
0x2a6: {  	v20 =	vld.idx.msk [tilespmem:v17+s22+$0x0], $0xffff;
	v15 =	vadd.f32 $5.050000000e+01, v18;
	_ =	sdelay $0x1  }
0x2a7: {  	v17 =	vld.idx.msk [tilespmem:v17+s23+$0x0], $0xffff;
	v15 =	vmax.f32 v15, $0.0e+00  }
0x2a8: {  	v15 =	vmin.f32 v15, $1.000000000e+02  }
0x2a9: {  	v18 =	vtrunc.f32 v15;
	v15 =	vld [tilespmem:s31+$0x20F0]  }
0x2aa: {  	v18 =	vcvt.f32.s32 v18  }
0x2ab: {  	v19 =	vmul.f32 v20, v19;
	_ =	sdelay $0x1  }
0x2ac: {  	v17 =	vadd.f32 v17, v19  }
0x2ad: {  	v19 =	vmul.f32 $9.899999610e+00, v15  }
.Ltmp7:
0x2ae: {  	[tilespmem:s31+$0x5DE0] =	vst v17;
	(pc) =	sbr.rel @p1 .LBB2_5-.Ltmp7, $3  }
0x2af: {  	v17 =	vld.idx.msk [tilespmem:v18+s22+$0x0], $0xffff;
	v19 =	vadd.f32 $5.050000000e+01, v19;
	_ =	sdelay $0x1  }
0x2b0: {  	v18 =	vld.idx.msk [tilespmem:v18+s23+$0x0], $0xffff;
	v19 =	vmax.f32 v19, $0.0e+00  }
0x2b1: {  	s0 =	sshra.s32 s3, $0x2;
	s3 =	sadd.s32 $0x100, s3;
	v19 =	vmin.f32 v19, $1.000000000e+02  }
0x2b2: {  	v20 =	vld [tilespmem:s0+$0x20C0]  }
0x2b3: {  	v19 =	vtrunc.f32 v19  }
0x2b4: {  	v19 =	vcvt.f32.s32 v19  }
0x2b5: {  	v16 =	vmul.f32 v17, v16;
	_ =	sdelay $0x1  }
0x2b6: {  	v16 =	vadd.f32 v18, v16;
	v48 =	vmul.f32 $9.899999610e+00, v20;
	_ =	sdelay $0x1  }
0x2b7: {  	[tilespmem:s31+$0x5DF0] =	vst v16;
	v49 =	vadd.f32 $5.050000000e+01, v48  }
0x2b8: {  	v50 =	vld.idx.msk [tilespmem:v19+s22+$0x0], $0xffff  }
0x2b9: {  	v52 =	vld [tilespmem:s0+$0x20D0];
	v16 =	vmax.f32 v49, $0.0e+00  }
0x2ba: {  	v51 =	vld.idx.msk [tilespmem:v19+s23+$0x0], $0xffff;
	v16 =	vmin.f32 v16, $1.000000000e+02  }
0x2bb: {  	v16 =	vtrunc.f32 v16  }
0x2bc: {  	v16 =	vcvt.f32.s32 v16  }
0x2bd: {  	v15 =	vmul.f32 v50, v15;
	_ =	sdelay $0x1  }
0x2be: {  	v53 =	vmul.f32 $9.899999610e+00, v52;
	v15 =	vadd.f32 v51, v15;
	_ =	sdelay $0x1  }
0x2bf: {  	[tilespmem:s31+$0x5E00] =	vst v15;
	v15 =	vadd.f32 $5.050000000e+01, v53  }
0x2c0: {  	v54 =	vld.idx.msk [tilespmem:v16+s22+$0x0], $0xffff  }
0x2c1: {  	v55 =	vld [tilespmem:s0+$0x20E0];
	v15 =	vmax.f32 v15, $0.0e+00  }
0x2c2: {  	v16 =	vld.idx.msk [tilespmem:v16+s23+$0x0], $0xffff;
	v15 =	vmin.f32 v15, $1.000000000e+02  }
0x2c3: {  	v15 =	vtrunc.f32 v15  }
0x2c4: {  	v15 =	vcvt.f32.s32 v15  }
0x2c5: {  	v17 =	vmul.f32 v54, v20;
	_ =	sdelay $0x1  }
0x2c6: {  	v56 =	vmul.f32 $9.899999610e+00, v55;
	v16 =	vadd.f32 v16, v17;
	_ =	sdelay $0x1  }
0x2c7: {  	v57 =	vadd.f32 $5.050000000e+01, v56;
	[tilespmem:s0+$0x5DD0] =	vst v16  }
0x2c8: {  	v58 =	vld.idx.msk [tilespmem:v15+s22+$0x0], $0xffff  }
0x2c9: {  	v59 =	vld [tilespmem:s0+$0x20F0];
	v16 =	vmax.f32 v57, $0.0e+00  }
0x2ca: {  	v15 =	vld.idx.msk [tilespmem:v15+s23+$0x0], $0xffff;
	v16 =	vmin.f32 v16, $1.000000000e+02  }
0x2cb: {  	v16 =	vtrunc.f32 v16  }
0x2cc: {  	v16 =	vcvt.f32.s32 v16  }
0x2cd: {  	v17 =	vmul.f32 v58, v52;
	_ =	sdelay $0x1  }
0x2ce: {  	v60 =	vmul.f32 $9.899999610e+00, v59;
	v15 =	vadd.f32 v15, v17;
	_ =	sdelay $0x1  }
0x2cf: {  	[tilespmem:s0+$0x5DE0] =	vst v15;
	v15 =	vadd.f32 $5.050000000e+01, v60  }
0x2d0: {  	v61 =	vld.idx.msk [tilespmem:v16+s22+$0x0], $0xffff  }
0x2d1: {  	v15 =	vmax.f32 v15, $0.0e+00  }
0x2d2: {  	v16 =	vld.idx.msk [tilespmem:v16+s23+$0x0], $0xffff;
	v15 =	vmin.f32 v15, $1.000000000e+02  }
0x2d3: {  	v15 =	vtrunc.f32 v15  }
0x2d4: {  	v15 =	vcvt.f32.s32 v15  }
0x2d5: {  	v17 =	vmul.f32 v61, v55;
	_ =	sdelay $0x1  }
0x2d6: {  	v16 =	vadd.f32 v16, v17;
	_ =	sdelay $0x1  }
0x2d7: {  	[tilespmem:s0+$0x5DF0] =	vst v16  }
0x2d8: {  	v16 =	vld.idx.msk [tilespmem:v15+s22+$0x0], $0xffff;
	_ =	sdelay $0x1  }
0x2d9: {  	v15 =	vld.idx.msk [tilespmem:v15+s23+$0x0], $0xffff;
	_ =	sdelay $0x2  }
0x2da: {  	v16 =	vmul.f32 v16, v59;
	_ =	sdelay $0x1  }
0x2db: {  	v15 =	vadd.f32 v15, v16;
	_ =	sdelay $0x1  }
0x2dc: {  	[tilespmem:s0+$0x5E00] =	vst v15  }
0x2dd: {  	v15 =	vld [tilespmem:$0x3F40];
	_ =	sdelay $0x4  }
0x2de: {  	v62 =	vmul.f32 $9.899999610e+00, v15;
	_ =	sdelay $0x1  }
0x2df: {  	v16 =	vadd.f32 $5.050000000e+01, v62;
	_ =	sdelay $0x1  }
0x2e0: {  	v16 =	vmax.f32 v16, $0.0e+00  }
0x2e1: {  	v16 =	vmin.f32 v16, $1.000000000e+02  }
0x2e2: {  	v16 =	vtrunc.f32 v16  }
0x2e3: {  	v16 =	vcvt.f32.s32 v16;
	_ =	sdelay $0x5  }
0x2e4: {  	v63 =	vld.idx.msk [tilespmem:v16+s22+$0x0], $0xffff;
	_ =	sdelay $0x1  }
0x2e5: {  	v16 =	vld.idx.msk [tilespmem:v16+s23+$0x0], $0xffff;
	_ =	sdelay $0x2  }
0x2e6: {  	v15 =	vmul.f32 v63, v15;
	_ =	sdelay $0x1  }
0x2e7: {  	v15 =	vadd.f32 v16, v15;
	_ =	sdelay $0x1  }
0x2e8: {  	[tilespmem:$0x7C50] =	vst v15  }
0x2e9: {  	[hbm4b:s9+s5] =	stream.linear.scatter [tilespmem:s29], [sflag:$0x3], $0x1E90, $0x38;
	[tilespmem:$0x7C60] =	vst v63  }
0x2ea: {  	_ =	swait.ge [sflag:s21], $0x1E80  }
.Ltmp8:
0x2eb: {  	[sflag:s21] =	ssyncset.done $0x0;
	(pc) =	sbr.rel .LBB2_12-.Ltmp8, $4  }
0x2ec: {  	[sflag:s21] =	ssyncadd.s32 $0xFFFFE180  }
0x2ed: {  	_ =	swait.ge [sflag:s25], $0x1E90  }
0x2ee: {  	[sflag:s25] =	ssyncset.done $0x0  }
0x2ef: {  	[sflag:s25] =	ssyncadd.s32 $0xFFFFE170  }
.LBB2_13:
0x2f0: {  	_ =	sfence.sel $0x180000  }
0x2f1: {  	[bflag:$0x0] =	sbarrier.arrive $0xFFFF  }
0x2f2: {  	_ =	strace $0x90000047  }
0x2f3: {  	s0 =	stileid.u32;
	[bflag:$0x2] =	sbarrier.arrive $0xFFFF  }
0x2f4: {  	p0 =	sne.s32 s0, $0x0;
	s0 =	rddreg [dreg:$0x4]  }
0x2f5: {  	s0 =	sadd.s32 @!p0 $0x100000, s0  }
0x2f6: {  	[sflag:s0] =	ssyncadd.tile.s32 @!p0 $0x1;
	_ =	shalt  }
.Lfunc_end2:
_tile_overlayer_lowered:
.L_overlay_start_2:
0x2f7: {  	(tag) =	ssettag $0x2  }
0x2f8: {  	s0 =	rddreg [dreg:$0x0];
	s2 =	stileid.u32  }
0x2f9: {  	s1 =	rddreg [dreg:$0x1];
	p0 =	sne.s32 s2, $0x0  }
0x2fa: {  	s3 =	rddreg [dreg:$0x2];
	[bflag:$0x3] =	sbarrier.arrive $0xFFFF;
	s2 =	simm.s32 @!p0 $0x1C04  }
0x2fb: {  	[timem:s3], [sflag:s2] =	dma.local @!p0 [hbm:s0], s1  }
0x2fc: {  	s0 =	simm.s32 @!p0 $0x4  }
0x2fd: {  	_ =	swait.ge @!p0 [sflag:s0], s1  }
0x2fe: {  	s1 =	ssub.s32 @!p0 $0x0, s1;
	[sflag:s0] =	ssyncset.done @!p0 $0x0  }
0x2ff: {  	[sflag:s0] =	ssyncadd.s32 @!p0 s1  }
0x300: {  	[bflag:$0x3] =	sbarrier.arrive $0xFFFF  }
0x301: {  	_ =	shalt  }

</sc_bundles>
